<compile_context>
chip_gen: v7x
topology: tpu7x:2x2x1
jax: 0.10.2.dev20260603
libtpu: 0.0.44.dev20260713+nightly
codegen_flags: <defaults>
</compile_context>

<pallas_src>
import functools

import jax
import jax.numpy as jnp
from jax import lax
from jax.experimental import pallas as pl
from jax.experimental.pallas import tpu as pltpu
from jax.experimental.pallas import tpu_sc as plsc

_NC = 2
_NS = 16
_NW = _NC * _NS
_LANES = 16
_C = 16384

_UNIT = 524288
_SC_UNITS = 3
_TOTAL_UNITS = 16


def _sc_partial_sums(n_sc):
  assert n_sc % (_NW * _C) == 0
  per_worker = n_sc // _NW
  num_chunks = per_worker // _C
  mesh = plsc.VectorSubcoreMesh(core_axis_name="c", subcore_axis_name="s")

  @functools.partial(
      pl.kernel,
      out_type=jax.ShapeDtypeStruct((_NW, 2 * _LANES), jnp.float32),
      mesh=mesh,
      scratch_types=[
          pltpu.VMEM((2, _C), jnp.float32),
          pltpu.VMEM((2, _C), jnp.float32),
          pltpu.VMEM((2, _C), jnp.int32),
          pltpu.VMEM((2 * _LANES,), jnp.float32),
          pltpu.SemaphoreType.DMA,
          pltpu.SemaphoreType.DMA,
      ],
  )
  def k(pred_hbm, gt_hbm, mask_hbm, out_hbm, pbuf, gbuf, mbuf, obuf, sem0,
        sem1):
    wid = lax.axis_index("s") * _NC + lax.axis_index("c")
    base = wid * per_worker
    sems = (sem0, sem1)

    def fire(j, b):
      off = base + j * _C
      return [
          pltpu.async_copy(pred_hbm.at[pl.ds(off, _C)], pbuf.at[b], sems[b]),
          pltpu.async_copy(gt_hbm.at[pl.ds(off, _C)], gbuf.at[b], sems[b]),
          pltpu.async_copy(mask_hbm.at[pl.ds(off, _C)], mbuf.at[b], sems[b]),
      ]

    acc_s = jnp.zeros((_LANES,), jnp.float32)
    acc_c = jnp.zeros((_LANES,), jnp.float32)
    handles = [fire(0, 0), None]
    for j in range(num_chunks):
      b = j & 1
      if j + 1 < num_chunks:
        handles[1 - b] = fire(j + 1, 1 - b)
      for h in handles[b]:
        h.wait()

      def body(i, carry, b=b):
        s, c = carry
        off = i * _LANES
        p = pbuf[b, pl.ds(off, _LANES)]
        g = gbuf[b, pl.ds(off, _LANES)]
        m = mbuf[b, pl.ds(off, _LANES)]
        sel = m > 0
        s = s + jnp.where(sel, jnp.abs(p - g), 0.0)
        c = c + jnp.where(sel, 1.0, 0.0)
        return (s, c)

      acc_s, acc_c = lax.fori_loop(0, _C // _LANES, body, (acc_s, acc_c),
                                   unroll=8)

    obuf[pl.ds(0, _LANES)] = acc_s
    obuf[pl.ds(_LANES, _LANES)] = acc_c
    pltpu.sync_copy(obuf, out_hbm.at[wid])

  return k


_TC_ROWS = 2048


def _tc_body(p_ref, g_ref, m_ref, s_ref, c_ref, acc_ref):
  i = pl.program_id(0)

  @pl.when(i == 0)
  def _():
    acc_ref[...] = jnp.zeros_like(acc_ref)

  sel = m_ref[...] > 0
  d = jnp.where(sel, jnp.abs(p_ref[...] - g_ref[...]), 0.0)
  acc_ref[0:1, :] += jnp.sum(d, axis=0, keepdims=True)
  acc_ref[1:2, :] += jnp.sum(jnp.where(sel, 1.0, 0.0), axis=0,
                             keepdims=True)

  @pl.when(i == pl.num_programs(0) - 1)
  def _():
    s_ref[0] = jnp.sum(acc_ref[0:1, :])
    c_ref[0] = jnp.sum(acc_ref[1:2, :])


def _tc_partial_sums(row_offset_blocks, grid):
  in_spec = pl.BlockSpec((_TC_ROWS, 128),
                         lambda i: (i + row_offset_blocks, 0))
  out_spec = pl.BlockSpec(memory_space=pltpu.SMEM)
  return pl.pallas_call(
      _tc_body,
      grid=(grid,),
      in_specs=[in_spec, in_spec, in_spec],
      out_specs=[out_spec, out_spec],
      out_shape=[
          jax.ShapeDtypeStruct((1,), jnp.float32),
          jax.ShapeDtypeStruct((1,), jnp.float32),
      ],
      scratch_shapes=[pltpu.VMEM((2, 128), jnp.float32)],
  )


def kernel(predictions, gt_dose, possible_dose_mask):
  n = predictions.size
  assert n == _TOTAL_UNITS * _UNIT
  p = predictions.reshape(n)
  g = gt_dose.reshape(n)
  m = possible_dose_mask.reshape(n)
  n_sc = _SC_UNITS * _UNIT

  parts = _sc_partial_sums(n_sc)(p, g, m)

  p2 = p.reshape(-1, 128)
  g2 = g.reshape(-1, 128)
  m2 = m.reshape(-1, 128)
  rows_per_unit = _UNIT // 128
  blocks_per_unit = rows_per_unit // _TC_ROWS
  tc_s, tc_c = _tc_partial_sums(
      _SC_UNITS * blocks_per_unit,
      (_TOTAL_UNITS - _SC_UNITS) * blocks_per_unit,
  )(p2, g2, m2)

  sc_sums = jnp.sum(parts.reshape(_NW, 2, _LANES), axis=(0, 2))
  total = sc_sums[0] + tc_s[0]
  count = sc_sums[1] + tc_c[0]
  return total / jnp.maximum(count, 1.0)

# --- scband reference (transcript-rebuilt; emitter-appended) ---
"""Pipeline reference for scband-loss-85048942395886 (READ-ONLY COPY).

The authoritative reference and input builder live on the scoring server;
editing this copy changes nothing except your own understanding.
"""

import jax, jax.numpy as jnp
import numpy as np

def setup_inputs(seed: int = 0) -> dict:
    key = jax.random.key(seed)
    k1, k2, k3 = jax.random.split(key, 3)
    shape = (4, 1, 128, 128, 128)
    predictions = jax.random.normal(k1, shape, dtype=jnp.float32)
    gt_dose = jax.random.normal(k2, shape, dtype=jnp.float32)
    possible_dose_mask = jax.random.randint(k3, shape, 0, 2, dtype=jnp.int32)
    return {"predictions": predictions, "gt_dose": gt_dose, "possible_dose_mask": possible_dose_mask}

def reference(predictions, gt_dose, possible_dose_mask):
    # Faithful translation of: pred[mask>0], gt[mask>0], L1Loss(mean).
    # Boolean advanced indexing is data-dependent, so we use the
    # mathematically identical masked-mean formulation (same value):
    #   mean(|pred - gt| over masked elements)
    m = (possible_dose_mask > 0).astype(jnp.float32)
    abs_diff = jnp.abs(predictions - gt_dose) * m
    denom = jnp.maximum(jnp.sum(m), 1.0)
    loss = jnp.sum(abs_diff) / denom
    return loss

if __name__ == "__main__":
    import jax
    _d = setup_inputs()
    print(jax.jit(kernel)(*tuple(_d.values())))

</pallas_src>

<mosaic_0001>
#map = affine_map<(d0, d1) -> (0)>
#map1 = affine_map<(d0, d1) -> (0, 0)>
module attributes {stable_mosaic.version = 14 : i64} {
  func.func @k(%arg0: i32, %arg1: i32, %arg2: memref<8388608xf32, #tpu.memory_space<hbm>>, %arg3: memref<8388608xf32, #tpu.memory_space<hbm>>, %arg4: memref<8388608xi32, #tpu.memory_space<hbm>>, %arg5: memref<32x32xf32, #tpu.memory_space<hbm>>, %arg6: memref<2x16384xf32, #tpu.memory_space<vmem>>, %arg7: memref<2x16384xf32, #tpu.memory_space<vmem>>, %arg8: memref<2x16384xi32, #tpu.memory_space<vmem>>, %arg9: memref<32xf32, #tpu.memory_space<vmem>>, %arg10: memref<!tpu.dma_semaphore, #tpu.memory_space<semaphore_mem>>, %arg11: memref<!tpu.dma_semaphore, #tpu.memory_space<semaphore_mem>>) attributes {dimension_semantics = [#tpu.dimension_semantics<core_parallel>, #tpu.dimension_semantics<subcore_parallel>], iteration_bounds = array<i64: 2, 16>, scalar_prefetch = 0 : i64, scratch_operands = 6 : i64, tpu.core_type = #tpu.core_type<sc_vector_subcore>, window_params = [{transform_indices = #map}, {transform_indices = #map}, {transform_indices = #map}, {transform_indices = #map1}]} {
    %mul3A = arith.constant 2 : i32
    %mul3A_0 = arith.muli %arg1, %mul3A : i32
    %add3A = arith.addi %mul3A_0, %arg0 : i32
    %mul3A_1 = arith.constant 49152 : i32
    %mul3A_2 = arith.muli %add3A, %mul3A_1 : i32
    %broadcast_in_dim3A = arith.constant 0.000000e+00 : f32
    %broadcast_in_dim3A_3 = vector.broadcast %broadcast_in_dim3A : f32 to vector<16xf32>
    %broadcast_in_dim3A_4 = arith.constant 0.000000e+00 : f32
    %broadcast_in_dim3A_5 = vector.broadcast %broadcast_in_dim3A_4 : f32 to vector<16xf32>
    %add3A_6 = arith.constant 0 : i32
    %add3A_7 = arith.addi %mul3A_2, %add3A_6 : i32
    %dma_start3A = arith.constant 0 : i32
    %dma_start3A_8 = arith.constant 0 : i32
    %dma_start3A_9 = tpu.memref_slice %arg6[%dma_start3A, %dma_start3A_8] : memref<2x16384xf32, #tpu.memory_space<vmem>> -> memref<1x16384xf32, #tpu.memory_space<vmem>>
    %dma_start3A_10 = tpu.memref_squeeze %dma_start3A_9 : memref<1x16384xf32, #tpu.memory_space<vmem>> -> memref<16384xf32, #tpu.memory_space<vmem>>
    %dma_start3A_11 = tpu.memref_slice %arg2[%add3A_7] : memref<8388608xf32, #tpu.memory_space<hbm>> -> memref<16384xf32, #tpu.memory_space<hbm>>
    %dma_start3A_12 = arith.constant 0 : i32
    %dma_start3A_13 = tpu.memref_slice %arg6[%dma_start3A, %dma_start3A_12] : memref<2x16384xf32, #tpu.memory_space<vmem>> -> memref<1x16384xf32, #tpu.memory_space<vmem>>
    %dma_start3A_14 = tpu.memref_squeeze %dma_start3A_13 : memref<1x16384xf32, #tpu.memory_space<vmem>> -> memref<16384xf32, #tpu.memory_space<vmem>>
    %dma_start3A_15 = tpu.memref_slice %arg2[%add3A_7] : memref<8388608xf32, #tpu.memory_space<hbm>> -> memref<16384xf32, #tpu.memory_space<hbm>>
    tpu.enqueue_dma source(%dma_start3A_15 : memref<16384xf32, #tpu.memory_space<hbm>>) target(%dma_start3A_14 : memref<16384xf32, #tpu.memory_space<vmem>>) target_semaphore(%arg10 : memref<!tpu.dma_semaphore, #tpu.memory_space<semaphore_mem>>)
    %dma_start3A_16 = arith.constant 0 : i32
    %dma_start3A_17 = arith.constant 0 : i32
    %dma_start3A_18 = tpu.memref_slice %arg7[%dma_start3A_16, %dma_start3A_17] : memref<2x16384xf32, #tpu.memory_space<vmem>> -> memref<1x16384xf32, #tpu.memory_space<vmem>>
    %dma_start3A_19 = tpu.memref_squeeze %dma_start3A_18 : memref<1x16384xf32, #tpu.memory_space<vmem>> -> memref<16384xf32, #tpu.memory_space<vmem>>
    %dma_start3A_20 = tpu.memref_slice %arg3[%add3A_7] : memref<8388608xf32, #tpu.memory_space<hbm>> -> memref<16384xf32, #tpu.memory_space<hbm>>
    %dma_start3A_21 = arith.constant 0 : i32
    %dma_start3A_22 = tpu.memref_slice %arg7[%dma_start3A_16, %dma_start3A_21] : memref<2x16384xf32, #tpu.memory_space<vmem>> -> memref<1x16384xf32, #tpu.memory_space<vmem>>
    %dma_start3A_23 = tpu.memref_squeeze %dma_start3A_22 : memref<1x16384xf32, #tpu.memory_space<vmem>> -> memref<16384xf32, #tpu.memory_space<vmem>>
    %dma_start3A_24 = tpu.memref_slice %arg3[%add3A_7] : memref<8388608xf32, #tpu.memory_space<hbm>> -> memref<16384xf32, #tpu.memory_space<hbm>>
    tpu.enqueue_dma source(%dma_start3A_24 : memref<16384xf32, #tpu.memory_space<hbm>>) target(%dma_start3A_23 : memref<16384xf32, #tpu.memory_space<vmem>>) target_semaphore(%arg10 : memref<!tpu.dma_semaphore, #tpu.memory_space<semaphore_mem>>)
    %dma_start3A_25 = arith.constant 0 : i32
    %dma_start3A_26 = arith.constant 0 : i32
    %dma_start3A_27 = tpu.memref_slice %arg8[%dma_start3A_25, %dma_start3A_26] : memref<2x16384xi32, #tpu.memory_space<vmem>> -> memref<1x16384xi32, #tpu.memory_space<vmem>>
    %dma_start3A_28 = tpu.memref_squeeze %dma_start3A_27 : memref<1x16384xi32, #tpu.memory_space<vmem>> -> memref<16384xi32, #tpu.memory_space<vmem>>
    %dma_start3A_29 = tpu.memref_slice %arg4[%add3A_7] : memref<8388608xi32, #tpu.memory_space<hbm>> -> memref<16384xi32, #tpu.memory_space<hbm>>
    %dma_start3A_30 = arith.constant 0 : i32
    %dma_start3A_31 = tpu.memref_slice %arg8[%dma_start3A_25, %dma_start3A_30] : memref<2x16384xi32, #tpu.memory_space<vmem>> -> memref<1x16384xi32, #tpu.memory_space<vmem>>
    %dma_start3A_32 = tpu.memref_squeeze %dma_start3A_31 : memref<1x16384xi32, #tpu.memory_space<vmem>> -> memref<16384xi32, #tpu.memory_space<vmem>>
    %dma_start3A_33 = tpu.memref_slice %arg4[%add3A_7] : memref<8388608xi32, #tpu.memory_space<hbm>> -> memref<16384xi32, #tpu.memory_space<hbm>>
    tpu.enqueue_dma source(%dma_start3A_33 : memref<16384xi32, #tpu.memory_space<hbm>>) target(%dma_start3A_32 : memref<16384xi32, #tpu.memory_space<vmem>>) target_semaphore(%arg10 : memref<!tpu.dma_semaphore, #tpu.memory_space<semaphore_mem>>)
    %add3A_34 = arith.constant 16384 : i32
    %add3A_35 = arith.addi %mul3A_2, %add3A_34 : i32
    %dma_start3A_36 = arith.constant 1 : i32
    %dma_start3A_37 = arith.constant 0 : i32
    %dma_start3A_38 = tpu.memref_slice %arg6[%dma_start3A_36, %dma_start3A_37] : memref<2x16384xf32, #tpu.memory_space<vmem>> -> memref<1x16384xf32, #tpu.memory_space<vmem>>
    %dma_start3A_39 = tpu.memref_squeeze %dma_start3A_38 : memref<1x16384xf32, #tpu.memory_space<vmem>> -> memref<16384xf32, #tpu.memory_space<vmem>>
    %dma_start3A_40 = tpu.memref_slice %arg2[%add3A_35] : memref<8388608xf32, #tpu.memory_space<hbm>> -> memref<16384xf32, #tpu.memory_space<hbm>>
    %dma_start3A_41 = arith.constant 0 : i32
    %dma_start3A_42 = tpu.memref_slice %arg6[%dma_start3A_36, %dma_start3A_41] : memref<2x16384xf32, #tpu.memory_space<vmem>> -> memref<1x16384xf32, #tpu.memory_space<vmem>>
    %dma_start3A_43 = tpu.memref_squeeze %dma_start3A_42 : memref<1x16384xf32, #tpu.memory_space<vmem>> -> memref<16384xf32, #tpu.memory_space<vmem>>
    %dma_start3A_44 = tpu.memref_slice %arg2[%add3A_35] : memref<8388608xf32, #tpu.memory_space<hbm>> -> memref<16384xf32, #tpu.memory_space<hbm>>
    tpu.enqueue_dma source(%dma_start3A_44 : memref<16384xf32, #tpu.memory_space<hbm>>) target(%dma_start3A_43 : memref<16384xf32, #tpu.memory_space<vmem>>) target_semaphore(%arg11 : memref<!tpu.dma_semaphore, #tpu.memory_space<semaphore_mem>>)
    %dma_start3A_45 = arith.constant 1 : i32
    %dma_start3A_46 = arith.constant 0 : i32
    %dma_start3A_47 = tpu.memref_slice %arg7[%dma_start3A_45, %dma_start3A_46] : memref<2x16384xf32, #tpu.memory_space<vmem>> -> memref<1x16384xf32, #tpu.memory_space<vmem>>
    %dma_start3A_48 = tpu.memref_squeeze %dma_start3A_47 : memref<1x16384xf32, #tpu.memory_space<vmem>> -> memref<16384xf32, #tpu.memory_space<vmem>>
    %dma_start3A_49 = tpu.memref_slice %arg3[%add3A_35] : memref<8388608xf32, #tpu.memory_space<hbm>> -> memref<16384xf32, #tpu.memory_space<hbm>>
    %dma_start3A_50 = arith.constant 0 : i32
    %dma_start3A_51 = tpu.memref_slice %arg7[%dma_start3A_45, %dma_start3A_50] : memref<2x16384xf32, #tpu.memory_space<vmem>> -> memref<1x16384xf32, #tpu.memory_space<vmem>>
    %dma_start3A_52 = tpu.memref_squeeze %dma_start3A_51 : memref<1x16384xf32, #tpu.memory_space<vmem>> -> memref<16384xf32, #tpu.memory_space<vmem>>
    %dma_start3A_53 = tpu.memref_slice %arg3[%add3A_35] : memref<8388608xf32, #tpu.memory_space<hbm>> -> memref<16384xf32, #tpu.memory_space<hbm>>
    tpu.enqueue_dma source(%dma_start3A_53 : memref<16384xf32, #tpu.memory_space<hbm>>) target(%dma_start3A_52 : memref<16384xf32, #tpu.memory_space<vmem>>) target_semaphore(%arg11 : memref<!tpu.dma_semaphore, #tpu.memory_space<semaphore_mem>>)
    %dma_start3A_54 = arith.constant 1 : i32
    %dma_start3A_55 = arith.constant 0 : i32
    %dma_start3A_56 = tpu.memref_slice %arg8[%dma_start3A_54, %dma_start3A_55] : memref<2x16384xi32, #tpu.memory_space<vmem>> -> memref<1x16384xi32, #tpu.memory_space<vmem>>
    %dma_start3A_57 = tpu.memref_squeeze %dma_start3A_56 : memref<1x16384xi32, #tpu.memory_space<vmem>> -> memref<16384xi32, #tpu.memory_space<vmem>>
    %dma_start3A_58 = tpu.memref_slice %arg4[%add3A_35] : memref<8388608xi32, #tpu.memory_space<hbm>> -> memref<16384xi32, #tpu.memory_space<hbm>>
    %dma_start3A_59 = arith.constant 0 : i32
    %dma_start3A_60 = tpu.memref_slice %arg8[%dma_start3A_54, %dma_start3A_59] : memref<2x16384xi32, #tpu.memory_space<vmem>> -> memref<1x16384xi32, #tpu.memory_space<vmem>>
    %dma_start3A_61 = tpu.memref_squeeze %dma_start3A_60 : memref<1x16384xi32, #tpu.memory_space<vmem>> -> memref<16384xi32, #tpu.memory_space<vmem>>
    %dma_start3A_62 = tpu.memref_slice %arg4[%add3A_35] : memref<8388608xi32, #tpu.memory_space<hbm>> -> memref<16384xi32, #tpu.memory_space<hbm>>
    tpu.enqueue_dma source(%dma_start3A_62 : memref<16384xi32, #tpu.memory_space<hbm>>) target(%dma_start3A_61 : memref<16384xi32, #tpu.memory_space<vmem>>) target_semaphore(%arg11 : memref<!tpu.dma_semaphore, #tpu.memory_space<semaphore_mem>>)
    %dma_wait3A = arith.constant 0 : i32
    %dma_wait3A_63 = arith.constant 0 : i32
    %dma_wait3A_64 = tpu.memref_slice %arg6[%dma_wait3A, %dma_wait3A_63] : memref<2x16384xf32, #tpu.memory_space<vmem>> -> memref<1x16384xf32, #tpu.memory_space<vmem>>
    %dma_wait3A_65 = tpu.memref_squeeze %dma_wait3A_64 : memref<1x16384xf32, #tpu.memory_space<vmem>> -> memref<16384xf32, #tpu.memory_space<vmem>>
    %dma_wait3A_66 = tpu.memref_slice %arg2[%add3A_7] : memref<8388608xf32, #tpu.memory_space<hbm>> -> memref<16384xf32, #tpu.memory_space<hbm>>
    %dma_wait3A_67 = arith.constant 0 : i32
    %dma_wait3A_68 = tpu.memref_slice %arg6[%dma_wait3A, %dma_wait3A_67] : memref<2x16384xf32, #tpu.memory_space<vmem>> -> memref<1x16384xf32, #tpu.memory_space<vmem>>
    %dma_wait3A_69 = tpu.memref_squeeze %dma_wait3A_68 : memref<1x16384xf32, #tpu.memory_space<vmem>> -> memref<16384xf32, #tpu.memory_space<vmem>>
    %dma_wait3A_70 = tpu.memref_slice %arg2[%add3A_7] : memref<8388608xf32, #tpu.memory_space<hbm>> -> memref<16384xf32, #tpu.memory_space<hbm>>
    tpu.wait_dma2 semaphore(%arg10 : memref<!tpu.dma_semaphore, #tpu.memory_space<semaphore_mem>>) src(%dma_wait3A_70 : memref<16384xf32, #tpu.memory_space<hbm>>) dst(%dma_wait3A_69 : memref<16384xf32, #tpu.memory_space<vmem>>)
    %dma_wait3A_71 = arith.constant 0 : i32
    %dma_wait3A_72 = arith.constant 0 : i32
    %dma_wait3A_73 = tpu.memref_slice %arg7[%dma_wait3A_71, %dma_wait3A_72] : memref<2x16384xf32, #tpu.memory_space<vmem>> -> memref<1x16384xf32, #tpu.memory_space<vmem>>
    %dma_wait3A_74 = tpu.memref_squeeze %dma_wait3A_73 : memref<1x16384xf32, #tpu.memory_space<vmem>> -> memref<16384xf32, #tpu.memory_space<vmem>>
    %dma_wait3A_75 = tpu.memref_slice %arg3[%add3A_7] : memref<8388608xf32, #tpu.memory_space<hbm>> -> memref<16384xf32, #tpu.memory_space<hbm>>
    %dma_wait3A_76 = arith.constant 0 : i32
    %dma_wait3A_77 = tpu.memref_slice %arg7[%dma_wait3A_71, %dma_wait3A_76] : memref<2x16384xf32, #tpu.memory_space<vmem>> -> memref<1x16384xf32, #tpu.memory_space<vmem>>
    %dma_wait3A_78 = tpu.memref_squeeze %dma_wait3A_77 : memref<1x16384xf32, #tpu.memory_space<vmem>> -> memref<16384xf32, #tpu.memory_space<vmem>>
    %dma_wait3A_79 = tpu.memref_slice %arg3[%add3A_7] : memref<8388608xf32, #tpu.memory_space<hbm>> -> memref<16384xf32, #tpu.memory_space<hbm>>
    tpu.wait_dma2 semaphore(%arg10 : memref<!tpu.dma_semaphore, #tpu.memory_space<semaphore_mem>>) src(%dma_wait3A_79 : memref<16384xf32, #tpu.memory_space<hbm>>) dst(%dma_wait3A_78 : memref<16384xf32, #tpu.memory_space<vmem>>)
    %dma_wait3A_80 = arith.constant 0 : i32
    %dma_wait3A_81 = arith.constant 0 : i32
    %dma_wait3A_82 = tpu.memref_slice %arg8[%dma_wait3A_80, %dma_wait3A_81] : memref<2x16384xi32, #tpu.memory_space<vmem>> -> memref<1x16384xi32, #tpu.memory_space<vmem>>
    %dma_wait3A_83 = tpu.memref_squeeze %dma_wait3A_82 : memref<1x16384xi32, #tpu.memory_space<vmem>> -> memref<16384xi32, #tpu.memory_space<vmem>>
    %dma_wait3A_84 = tpu.memref_slice %arg4[%add3A_7] : memref<8388608xi32, #tpu.memory_space<hbm>> -> memref<16384xi32, #tpu.memory_space<hbm>>
    %dma_wait3A_85 = arith.constant 0 : i32
    %dma_wait3A_86 = tpu.memref_slice %arg8[%dma_wait3A_80, %dma_wait3A_85] : memref<2x16384xi32, #tpu.memory_space<vmem>> -> memref<1x16384xi32, #tpu.memory_space<vmem>>
    %dma_wait3A_87 = tpu.memref_squeeze %dma_wait3A_86 : memref<1x16384xi32, #tpu.memory_space<vmem>> -> memref<16384xi32, #tpu.memory_space<vmem>>
    %dma_wait3A_88 = tpu.memref_slice %arg4[%add3A_7] : memref<8388608xi32, #tpu.memory_space<hbm>> -> memref<16384xi32, #tpu.memory_space<hbm>>
    tpu.wait_dma2 semaphore(%arg10 : memref<!tpu.dma_semaphore, #tpu.memory_space<semaphore_mem>>) src(%dma_wait3A_88 : memref<16384xi32, #tpu.memory_space<hbm>>) dst(%dma_wait3A_87 : memref<16384xi32, #tpu.memory_space<vmem>>)
    %scan3A = arith.constant 0 : i32
    %scan3A_89 = arith.constant 1024 : i32
    %scan3A_90 = arith.addi %scan3A, %scan3A_89 : i32
    %scan3A_91 = arith.constant 8 : i32
    %scan3A_92:2 = scf.for %scan3A_196 = %scan3A to %scan3A_90 step %scan3A_91 iter_args(%scan3A_197 = %broadcast_in_dim3A_3, %scan3A_198 = %broadcast_in_dim3A_5) -> (vector<16xf32>, vector<16xf32>)  : i32 {
      %mul3A_199 = arith.constant 16 : i32
      %mul3A_200 = arith.muli %scan3A_196, %mul3A_199 : i32
      %get3A = arith.constant 0 : i32
      %get3A_201 = arith.index_cast %get3A : i32 to index
      %get3A_202 = arith.index_cast %mul3A_200 : i32 to index
      %get3A_203 = tpu.vector_load %arg6[%get3A_201, %get3A_202] {strides = array<i32>} : memref<2x16384xf32, #tpu.memory_space<vmem>>, vector<1x16xf32>,
      %get3A_204 = vector.shape_cast %get3A_203 : vector<1x16xf32> to vector<16xf32>
      %get3A_205 = arith.constant 0 : i32
      %get3A_206 = arith.index_cast %get3A_205 : i32 to index
      %get3A_207 = arith.index_cast %mul3A_200 : i32 to index
      %get3A_208 = tpu.vector_load %arg7[%get3A_206, %get3A_207] {strides = array<i32>} : memref<2x16384xf32, #tpu.memory_space<vmem>>, vector<1x16xf32>,
      %get3A_209 = vector.shape_cast %get3A_208 : vector<1x16xf32> to vector<16xf32>
      %get3A_210 = arith.constant 0 : i32
      %get3A_211 = arith.index_cast %get3A_210 : i32 to index
      %get3A_212 = arith.index_cast %mul3A_200 : i32 to index
      %get3A_213 = tpu.vector_load %arg8[%get3A_211, %get3A_212] {strides = array<i32>} : memref<2x16384xi32, #tpu.memory_space<vmem>>, vector<1x16xi32>,
      %get3A_214 = vector.shape_cast %get3A_213 : vector<1x16xi32> to vector<16xi32>
      %gt3A = arith.constant 0 : i32
      %gt3A_215 = vector.broadcast %gt3A : i32 to vector<16xi32>
      %gt3A_216 = arith.cmpi sgt, %get3A_214, %gt3A_215 : vector<16xi32>
      %sub3A = arith.subf %get3A_204, %get3A_209 : vector<16xf32>
      %abs3A = math.absf %sub3A : vector<16xf32>
      %jit3A = arith.constant 0.000000e+00 : f32
      %broadcast_in_dim3A_217 = vector.broadcast %jit3A : f32 to vector<16xf32>
      %select_n3A = arith.select %gt3A_216, %abs3A, %broadcast_in_dim3A_217 : vector<16xi1>, vector<16xf32>
      %add3A_218 = arith.addf %scan3A_197, %select_n3A : vector<16xf32>
      %jit3A_219 = arith.constant 1.000000e+00 : f32
      %jit3A_220 = arith.constant 0.000000e+00 : f32
      %broadcast_in_dim3A_221 = vector.broadcast %jit3A_219 : f32 to vector<16xf32>
      %broadcast_in_dim3A_222 = vector.broadcast %jit3A_220 : f32 to vector<16xf32>
      %select_n3A_223 = arith.select %gt3A_216, %broadcast_in_dim3A_221, %broadcast_in_dim3A_222 : vector<16xi1>, vector<16xf32>
      %add3A_224 = arith.addf %scan3A_198, %select_n3A_223 : vector<16xf32>
      %scan3A_225 = arith.constant 1 : i32
      %scan3A_226 = arith.addi %scan3A_196, %scan3A_225 : i32
      %mul3A_227 = arith.constant 16 : i32
      %mul3A_228 = arith.muli %scan3A_226, %mul3A_227 : i32
      %get3A_229 = arith.constant 0 : i32
      %get3A_230 = arith.index_cast %get3A_229 : i32 to index
      %get3A_231 = arith.index_cast %mul3A_228 : i32 to index
      %get3A_232 = tpu.vector_load %arg6[%get3A_230, %get3A_231] {strides = array<i32>} : memref<2x16384xf32, #tpu.memory_space<vmem>>, vector<1x16xf32>,
      %get3A_233 = vector.shape_cast %get3A_232 : vector<1x16xf32> to vector<16xf32>
      %get3A_234 = arith.constant 0 : i32
      %get3A_235 = arith.index_cast %get3A_234 : i32 to index
      %get3A_236 = arith.index_cast %mul3A_228 : i32 to index
      %get3A_237 = tpu.vector_load %arg7[%get3A_235, %get3A_236] {strides = array<i32>} : memref<2x16384xf32, #tpu.memory_space<vmem>>, vector<1x16xf32>,
      %get3A_238 = vector.shape_cast %get3A_237 : vector<1x16xf32> to vector<16xf32>
      %get3A_239 = arith.constant 0 : i32
      %get3A_240 = arith.index_cast %get3A_239 : i32 to index
      %get3A_241 = arith.index_cast %mul3A_228 : i32 to index
      %get3A_242 = tpu.vector_load %arg8[%get3A_240, %get3A_241] {strides = array<i32>} : memref<2x16384xi32, #tpu.memory_space<vmem>>, vector<1x16xi32>,
      %get3A_243 = vector.shape_cast %get3A_242 : vector<1x16xi32> to vector<16xi32>
      %gt3A_244 = arith.constant 0 : i32
      %gt3A_245 = vector.broadcast %gt3A_244 : i32 to vector<16xi32>
      %gt3A_246 = arith.cmpi sgt, %get3A_243, %gt3A_245 : vector<16xi32>
      %sub3A_247 = arith.subf %get3A_233, %get3A_238 : vector<16xf32>
      %abs3A_248 = math.absf %sub3A_247 : vector<16xf32>
      %jit3A_249 = arith.constant 0.000000e+00 : f32
      %broadcast_in_dim3A_250 = vector.broadcast %jit3A_249 : f32 to vector<16xf32>
      %select_n3A_251 = arith.select %gt3A_246, %abs3A_248, %broadcast_in_dim3A_250 : vector<16xi1>, vector<16xf32>
      %add3A_252 = arith.addf %add3A_218, %select_n3A_251 : vector<16xf32>
      %jit3A_253 = arith.constant 1.000000e+00 : f32
      %jit3A_254 = arith.constant 0.000000e+00 : f32
      %broadcast_in_dim3A_255 = vector.broadcast %jit3A_253 : f32 to vector<16xf32>
      %broadcast_in_dim3A_256 = vector.broadcast %jit3A_254 : f32 to vector<16xf32>
      %select_n3A_257 = arith.select %gt3A_246, %broadcast_in_dim3A_255, %broadcast_in_dim3A_256 : vector<16xi1>, vector<16xf32>
      %add3A_258 = arith.addf %add3A_224, %select_n3A_257 : vector<16xf32>
      %scan3A_259 = arith.constant 2 : i32
      %scan3A_260 = arith.addi %scan3A_196, %scan3A_259 : i32
      %mul3A_261 = arith.constant 16 : i32
      %mul3A_262 = arith.muli %scan3A_260, %mul3A_261 : i32
      %get3A_263 = arith.constant 0 : i32
      %get3A_264 = arith.index_cast %get3A_263 : i32 to index
      %get3A_265 = arith.index_cast %mul3A_262 : i32 to index
      %get3A_266 = tpu.vector_load %arg6[%get3A_264, %get3A_265] {strides = array<i32>} : memref<2x16384xf32, #tpu.memory_space<vmem>>, vector<1x16xf32>,
      %get3A_267 = vector.shape_cast %get3A_266 : vector<1x16xf32> to vector<16xf32>
      %get3A_268 = arith.constant 0 : i32
      %get3A_269 = arith.index_cast %get3A_268 : i32 to index
      %get3A_270 = arith.index_cast %mul3A_262 : i32 to index
      %get3A_271 = tpu.vector_load %arg7[%get3A_269, %get3A_270] {strides = array<i32>} : memref<2x16384xf32, #tpu.memory_space<vmem>>, vector<1x16xf32>,
      %get3A_272 = vector.shape_cast %get3A_271 : vector<1x16xf32> to vector<16xf32>
      %get3A_273 = arith.constant 0 : i32
      %get3A_274 = arith.index_cast %get3A_273 : i32 to index
      %get3A_275 = arith.index_cast %mul3A_262 : i32 to index
      %get3A_276 = tpu.vector_load %arg8[%get3A_274, %get3A_275] {strides = array<i32>} : memref<2x16384xi32, #tpu.memory_space<vmem>>, vector<1x16xi32>,
      %get3A_277 = vector.shape_cast %get3A_276 : vector<1x16xi32> to vector<16xi32>
      %gt3A_278 = arith.constant 0 : i32
      %gt3A_279 = vector.broadcast %gt3A_278 : i32 to vector<16xi32>
      %gt3A_280 = arith.cmpi sgt, %get3A_277, %gt3A_279 : vector<16xi32>
      %sub3A_281 = arith.subf %get3A_267, %get3A_272 : vector<16xf32>
      %abs3A_282 = math.absf %sub3A_281 : vector<16xf32>
      %jit3A_283 = arith.constant 0.000000e+00 : f32
      %broadcast_in_dim3A_284 = vector.broadcast %jit3A_283 : f32 to vector<16xf32>
      %select_n3A_285 = arith.select %gt3A_280, %abs3A_282, %broadcast_in_dim3A_284 : vector<16xi1>, vector<16xf32>
      %add3A_286 = arith.addf %add3A_252, %select_n3A_285 : vector<16xf32>
      %jit3A_287 = arith.constant 1.000000e+00 : f32
      %jit3A_288 = arith.constant 0.000000e+00 : f32
      %broadcast_in_dim3A_289 = vector.broadcast %jit3A_287 : f32 to vector<16xf32>
      %broadcast_in_dim3A_290 = vector.broadcast %jit3A_288 : f32 to vector<16xf32>
      %select_n3A_291 = arith.select %gt3A_280, %broadcast_in_dim3A_289, %broadcast_in_dim3A_290 : vector<16xi1>, vector<16xf32>
      %add3A_292 = arith.addf %add3A_258, %select_n3A_291 : vector<16xf32>
      %scan3A_293 = arith.constant 3 : i32
      %scan3A_294 = arith.addi %scan3A_196, %scan3A_293 : i32
      %mul3A_295 = arith.constant 16 : i32
      %mul3A_296 = arith.muli %scan3A_294, %mul3A_295 : i32
      %get3A_297 = arith.constant 0 : i32
      %get3A_298 = arith.index_cast %get3A_297 : i32 to index
      %get3A_299 = arith.index_cast %mul3A_296 : i32 to index
      %get3A_300 = tpu.vector_load %arg6[%get3A_298, %get3A_299] {strides = array<i32>} : memref<2x16384xf32, #tpu.memory_space<vmem>>, vector<1x16xf32>,
      %get3A_301 = vector.shape_cast %get3A_300 : vector<1x16xf32> to vector<16xf32>
      %get3A_302 = arith.constant 0 : i32
      %get3A_303 = arith.index_cast %get3A_302 : i32 to index
      %get3A_304 = arith.index_cast %mul3A_296 : i32 to index
      %get3A_305 = tpu.vector_load %arg7[%get3A_303, %get3A_304] {strides = array<i32>} : memref<2x16384xf32, #tpu.memory_space<vmem>>, vector<1x16xf32>,
      %get3A_306 = vector.shape_cast %get3A_305 : vector<1x16xf32> to vector<16xf32>
      %get3A_307 = arith.constant 0 : i32
      %get3A_308 = arith.index_cast %get3A_307 : i32 to index
      %get3A_309 = arith.index_cast %mul3A_296 : i32 to index
      %get3A_310 = tpu.vector_load %arg8[%get3A_308, %get3A_309] {strides = array<i32>} : memref<2x16384xi32, #tpu.memory_space<vmem>>, vector<1x16xi32>,
      %get3A_311 = vector.shape_cast %get3A_310 : vector<1x16xi32> to vector<16xi32>
      %gt3A_312 = arith.constant 0 : i32
      %gt3A_313 = vector.broadcast %gt3A_312 : i32 to vector<16xi32>
      %gt3A_314 = arith.cmpi sgt, %get3A_311, %gt3A_313 : vector<16xi32>
      %sub3A_315 = arith.subf %get3A_301, %get3A_306 : vector<16xf32>
      %abs3A_316 = math.absf %sub3A_315 : vector<16xf32>
      %jit3A_317 = arith.constant 0.000000e+00 : f32
      %broadcast_in_dim3A_318 = vector.broadcast %jit3A_317 : f32 to vector<16xf32>
      %select_n3A_319 = arith.select %gt3A_314, %abs3A_316, %broadcast_in_dim3A_318 : vector<16xi1>, vector<16xf32>
      %add3A_320 = arith.addf %add3A_286, %select_n3A_319 : vector<16xf32>
      %jit3A_321 = arith.constant 1.000000e+00 : f32
      %jit3A_322 = arith.constant 0.000000e+00 : f32
      %broadcast_in_dim3A_323 = vector.broadcast %jit3A_321 : f32 to vector<16xf32>
      %broadcast_in_dim3A_324 = vector.broadcast %jit3A_322 : f32 to vector<16xf32>
      %select_n3A_325 = arith.select %gt3A_314, %broadcast_in_dim3A_323, %broadcast_in_dim3A_324 : vector<16xi1>, vector<16xf32>
      %add3A_326 = arith.addf %add3A_292, %select_n3A_325 : vector<16xf32>
      %scan3A_327 = arith.constant 4 : i32
      %scan3A_328 = arith.addi %scan3A_196, %scan3A_327 : i32
      %mul3A_329 = arith.constant 16 : i32
      %mul3A_330 = arith.muli %scan3A_328, %mul3A_329 : i32
      %get3A_331 = arith.constant 0 : i32
      %get3A_332 = arith.index_cast %get3A_331 : i32 to index
      %get3A_333 = arith.index_cast %mul3A_330 : i32 to index
      %get3A_334 = tpu.vector_load %arg6[%get3A_332, %get3A_333] {strides = array<i32>} : memref<2x16384xf32, #tpu.memory_space<vmem>>, vector<1x16xf32>,
      %get3A_335 = vector.shape_cast %get3A_334 : vector<1x16xf32> to vector<16xf32>
      %get3A_336 = arith.constant 0 : i32
      %get3A_337 = arith.index_cast %get3A_336 : i32 to index
      %get3A_338 = arith.index_cast %mul3A_330 : i32 to index
      %get3A_339 = tpu.vector_load %arg7[%get3A_337, %get3A_338] {strides = array<i32>} : memref<2x16384xf32, #tpu.memory_space<vmem>>, vector<1x16xf32>,
      %get3A_340 = vector.shape_cast %get3A_339 : vector<1x16xf32> to vector<16xf32>
      %get3A_341 = arith.constant 0 : i32
      %get3A_342 = arith.index_cast %get3A_341 : i32 to index
      %get3A_343 = arith.index_cast %mul3A_330 : i32 to index
      %get3A_344 = tpu.vector_load %arg8[%get3A_342, %get3A_343] {strides = array<i32>} : memref<2x16384xi32, #tpu.memory_space<vmem>>, vector<1x16xi32>,
      %get3A_345 = vector.shape_cast %get3A_344 : vector<1x16xi32> to vector<16xi32>
      %gt3A_346 = arith.constant 0 : i32
      %gt3A_347 = vector.broadcast %gt3A_346 : i32 to vector<16xi32>
      %gt3A_348 = arith.cmpi sgt, %get3A_345, %gt3A_347 : vector<16xi32>
      %sub3A_349 = arith.subf %get3A_335, %get3A_340 : vector<16xf32>
      %abs3A_350 = math.absf %sub3A_349 : vector<16xf32>
      %jit3A_351 = arith.constant 0.000000e+00 : f32
      %broadcast_in_dim3A_352 = vector.broadcast %jit3A_351 : f32 to vector<16xf32>
      %select_n3A_353 = arith.select %gt3A_348, %abs3A_350, %broadcast_in_dim3A_352 : vector<16xi1>, vector<16xf32>
      %add3A_354 = arith.addf %add3A_320, %select_n3A_353 : vector<16xf32>
      %jit3A_355 = arith.constant 1.000000e+00 : f32
      %jit3A_356 = arith.constant 0.000000e+00 : f32
      %broadcast_in_dim3A_357 = vector.broadcast %jit3A_355 : f32 to vector<16xf32>
      %broadcast_in_dim3A_358 = vector.broadcast %jit3A_356 : f32 to vector<16xf32>
      %select_n3A_359 = arith.select %gt3A_348, %broadcast_in_dim3A_357, %broadcast_in_dim3A_358 : vector<16xi1>, vector<16xf32>
      %add3A_360 = arith.addf %add3A_326, %select_n3A_359 : vector<16xf32>
      %scan3A_361 = arith.constant 5 : i32
      %scan3A_362 = arith.addi %scan3A_196, %scan3A_361 : i32
      %mul3A_363 = arith.constant 16 : i32
      %mul3A_364 = arith.muli %scan3A_362, %mul3A_363 : i32
      %get3A_365 = arith.constant 0 : i32
      %get3A_366 = arith.index_cast %get3A_365 : i32 to index
      %get3A_367 = arith.index_cast %mul3A_364 : i32 to index
      %get3A_368 = tpu.vector_load %arg6[%get3A_366, %get3A_367] {strides = array<i32>} : memref<2x16384xf32, #tpu.memory_space<vmem>>, vector<1x16xf32>,
      %get3A_369 = vector.shape_cast %get3A_368 : vector<1x16xf32> to vector<16xf32>
      %get3A_370 = arith.constant 0 : i32
      %get3A_371 = arith.index_cast %get3A_370 : i32 to index
      %get3A_372 = arith.index_cast %mul3A_364 : i32 to index
      %get3A_373 = tpu.vector_load %arg7[%get3A_371, %get3A_372] {strides = array<i32>} : memref<2x16384xf32, #tpu.memory_space<vmem>>, vector<1x16xf32>,
      %get3A_374 = vector.shape_cast %get3A_373 : vector<1x16xf32> to vector<16xf32>
      %get3A_375 = arith.constant 0 : i32
      %get3A_376 = arith.index_cast %get3A_375 : i32 to index
      %get3A_377 = arith.index_cast %mul3A_364 : i32 to index
      %get3A_378 = tpu.vector_load %arg8[%get3A_376, %get3A_377] {strides = array<i32>} : memref<2x16384xi32, #tpu.memory_space<vmem>>, vector<1x16xi32>,
      %get3A_379 = vector.shape_cast %get3A_378 : vector<1x16xi32> to vector<16xi32>
      %gt3A_380 = arith.constant 0 : i32
      %gt3A_381 = vector.broadcast %gt3A_380 : i32 to vector<16xi32>
      %gt3A_382 = arith.cmpi sgt, %get3A_379, %gt3A_381 : vector<16xi32>
      %sub3A_383 = arith.subf %get3A_369, %get3A_374 : vector<16xf32>
      %abs3A_384 = math.absf %sub3A_383 : vector<16xf32>
      %jit3A_385 = arith.constant 0.000000e+00 : f32
      %broadcast_in_dim3A_386 = vector.broadcast %jit3A_385 : f32 to vector<16xf32>
      %select_n3A_387 = arith.select %gt3A_382, %abs3A_384, %broadcast_in_dim3A_386 : vector<16xi1>, vector<16xf32>
      %add3A_388 = arith.addf %add3A_354, %select_n3A_387 : vector<16xf32>
      %jit3A_389 = arith.constant 1.000000e+00 : f32
      %jit3A_390 = arith.constant 0.000000e+00 : f32
      %broadcast_in_dim3A_391 = vector.broadcast %jit3A_389 : f32 to vector<16xf32>
      %broadcast_in_dim3A_392 = vector.broadcast %jit3A_390 : f32 to vector<16xf32>
      %select_n3A_393 = arith.select %gt3A_382, %broadcast_in_dim3A_391, %broadcast_in_dim3A_392 : vector<16xi1>, vector<16xf32>
      %add3A_394 = arith.addf %add3A_360, %select_n3A_393 : vector<16xf32>
      %scan3A_395 = arith.constant 6 : i32
      %scan3A_396 = arith.addi %scan3A_196, %scan3A_395 : i32
      %mul3A_397 = arith.constant 16 : i32
      %mul3A_398 = arith.muli %scan3A_396, %mul3A_397 : i32
      %get3A_399 = arith.constant 0 : i32
      %get3A_400 = arith.index_cast %get3A_399 : i32 to index
      %get3A_401 = arith.index_cast %mul3A_398 : i32 to index
      %get3A_402 = tpu.vector_load %arg6[%get3A_400, %get3A_401] {strides = array<i32>} : memref<2x16384xf32, #tpu.memory_space<vmem>>, vector<1x16xf32>,
      %get3A_403 = vector.shape_cast %get3A_402 : vector<1x16xf32> to vector<16xf32>
      %get3A_404 = arith.constant 0 : i32
      %get3A_405 = arith.index_cast %get3A_404 : i32 to index
      %get3A_406 = arith.index_cast %mul3A_398 : i32 to index
      %get3A_407 = tpu.vector_load %arg7[%get3A_405, %get3A_406] {strides = array<i32>} : memref<2x16384xf32, #tpu.memory_space<vmem>>, vector<1x16xf32>,
      %get3A_408 = vector.shape_cast %get3A_407 : vector<1x16xf32> to vector<16xf32>
      %get3A_409 = arith.constant 0 : i32
      %get3A_410 = arith.index_cast %get3A_409 : i32 to index
      %get3A_411 = arith.index_cast %mul3A_398 : i32 to index
      %get3A_412 = tpu.vector_load %arg8[%get3A_410, %get3A_411] {strides = array<i32>} : memref<2x16384xi32, #tpu.memory_space<vmem>>, vector<1x16xi32>,
      %get3A_413 = vector.shape_cast %get3A_412 : vector<1x16xi32> to vector<16xi32>
      %gt3A_414 = arith.constant 0 : i32
      %gt3A_415 = vector.broadcast %gt3A_414 : i32 to vector<16xi32>
      %gt3A_416 = arith.cmpi sgt, %get3A_413, %gt3A_415 : vector<16xi32>
      %sub3A_417 = arith.subf %get3A_403, %get3A_408 : vector<16xf32>
      %abs3A_418 = math.absf %sub3A_417 : vector<16xf32>
      %jit3A_419 = arith.constant 0.000000e+00 : f32
      %broadcast_in_dim3A_420 = vector.broadcast %jit3A_419 : f32 to vector<16xf32>
      %select_n3A_421 = arith.select %gt3A_416, %abs3A_418, %broadcast_in_dim3A_420 : vector<16xi1>, vector<16xf32>
      %add3A_422 = arith.addf %add3A_388, %select_n3A_421 : vector<16xf32>
      %jit3A_423 = arith.constant 1.000000e+00 : f32
      %jit3A_424 = arith.constant 0.000000e+00 : f32
      %broadcast_in_dim3A_425 = vector.broadcast %jit3A_423 : f32 to vector<16xf32>
      %broadcast_in_dim3A_426 = vector.broadcast %jit3A_424 : f32 to vector<16xf32>
      %select_n3A_427 = arith.select %gt3A_416, %broadcast_in_dim3A_425, %broadcast_in_dim3A_426 : vector<16xi1>, vector<16xf32>
      %add3A_428 = arith.addf %add3A_394, %select_n3A_427 : vector<16xf32>
      %scan3A_429 = arith.constant 7 : i32
      %scan3A_430 = arith.addi %scan3A_196, %scan3A_429 : i32
      %mul3A_431 = arith.constant 16 : i32
      %mul3A_432 = arith.muli %scan3A_430, %mul3A_431 : i32
      %get3A_433 = arith.constant 0 : i32
      %get3A_434 = arith.index_cast %get3A_433 : i32 to index
      %get3A_435 = arith.index_cast %mul3A_432 : i32 to index
      %get3A_436 = tpu.vector_load %arg6[%get3A_434, %get3A_435] {strides = array<i32>} : memref<2x16384xf32, #tpu.memory_space<vmem>>, vector<1x16xf32>,
      %get3A_437 = vector.shape_cast %get3A_436 : vector<1x16xf32> to vector<16xf32>
      %get3A_438 = arith.constant 0 : i32
      %get3A_439 = arith.index_cast %get3A_438 : i32 to index
      %get3A_440 = arith.index_cast %mul3A_432 : i32 to index
      %get3A_441 = tpu.vector_load %arg7[%get3A_439, %get3A_440] {strides = array<i32>} : memref<2x16384xf32, #tpu.memory_space<vmem>>, vector<1x16xf32>,
      %get3A_442 = vector.shape_cast %get3A_441 : vector<1x16xf32> to vector<16xf32>
      %get3A_443 = arith.constant 0 : i32
      %get3A_444 = arith.index_cast %get3A_443 : i32 to index
      %get3A_445 = arith.index_cast %mul3A_432 : i32 to index
      %get3A_446 = tpu.vector_load %arg8[%get3A_444, %get3A_445] {strides = array<i32>} : memref<2x16384xi32, #tpu.memory_space<vmem>>, vector<1x16xi32>,
      %get3A_447 = vector.shape_cast %get3A_446 : vector<1x16xi32> to vector<16xi32>
      %gt3A_448 = arith.constant 0 : i32
      %gt3A_449 = vector.broadcast %gt3A_448 : i32 to vector<16xi32>
      %gt3A_450 = arith.cmpi sgt, %get3A_447, %gt3A_449 : vector<16xi32>
      %sub3A_451 = arith.subf %get3A_437, %get3A_442 : vector<16xf32>
      %abs3A_452 = math.absf %sub3A_451 : vector<16xf32>
      %jit3A_453 = arith.constant 0.000000e+00 : f32
      %broadcast_in_dim3A_454 = vector.broadcast %jit3A_453 : f32 to vector<16xf32>
      %select_n3A_455 = arith.select %gt3A_450, %abs3A_452, %broadcast_in_dim3A_454 : vector<16xi1>, vector<16xf32>
      %add3A_456 = arith.addf %add3A_422, %select_n3A_455 : vector<16xf32>
      %jit3A_457 = arith.constant 1.000000e+00 : f32
      %jit3A_458 = arith.constant 0.000000e+00 : f32
      %broadcast_in_dim3A_459 = vector.broadcast %jit3A_457 : f32 to vector<16xf32>
      %broadcast_in_dim3A_460 = vector.broadcast %jit3A_458 : f32 to vector<16xf32>
      %select_n3A_461 = arith.select %gt3A_450, %broadcast_in_dim3A_459, %broadcast_in_dim3A_460 : vector<16xi1>, vector<16xf32>
      %add3A_462 = arith.addf %add3A_428, %select_n3A_461 : vector<16xf32>
      scf.yield %add3A_456, %add3A_462 : vector<16xf32>, vector<16xf32>
    }
    %scan3A_93 = arith.constant 1024 : i32
    %add3A_94 = arith.constant 32768 : i32
    %add3A_95 = arith.addi %mul3A_2, %add3A_94 : i32
    %dma_start3A_96 = arith.constant 0 : i32
    %dma_start3A_97 = arith.constant 0 : i32
    %dma_start3A_98 = tpu.memref_slice %arg6[%dma_start3A_96, %dma_start3A_97] : memref<2x16384xf32, #tpu.memory_space<vmem>> -> memref<1x16384xf32, #tpu.memory_space<vmem>>
    %dma_start3A_99 = tpu.memref_squeeze %dma_start3A_98 : memref<1x16384xf32, #tpu.memory_space<vmem>> -> memref<16384xf32, #tpu.memory_space<vmem>>
    %dma_start3A_100 = tpu.memref_slice %arg2[%add3A_95] : memref<8388608xf32, #tpu.memory_space<hbm>> -> memref<16384xf32, #tpu.memory_space<hbm>>
    %dma_start3A_101 = arith.constant 0 : i32
    %dma_start3A_102 = tpu.memref_slice %arg6[%dma_start3A_96, %dma_start3A_101] : memref<2x16384xf32, #tpu.memory_space<vmem>> -> memref<1x16384xf32, #tpu.memory_space<vmem>>
    %dma_start3A_103 = tpu.memref_squeeze %dma_start3A_102 : memref<1x16384xf32, #tpu.memory_space<vmem>> -> memref<16384xf32, #tpu.memory_space<vmem>>
    %dma_start3A_104 = tpu.memref_slice %arg2[%add3A_95] : memref<8388608xf32, #tpu.memory_space<hbm>> -> memref<16384xf32, #tpu.memory_space<hbm>>
    tpu.enqueue_dma source(%dma_start3A_104 : memref<16384xf32, #tpu.memory_space<hbm>>) target(%dma_start3A_103 : memref<16384xf32, #tpu.memory_space<vmem>>) target_semaphore(%arg10 : memref<!tpu.dma_semaphore, #tpu.memory_space<semaphore_mem>>)
    %dma_start3A_105 = arith.constant 0 : i32
    %dma_start3A_106 = arith.constant 0 : i32
    %dma_start3A_107 = tpu.memref_slice %arg7[%dma_start3A_105, %dma_start3A_106] : memref<2x16384xf32, #tpu.memory_space<vmem>> -> memref<1x16384xf32, #tpu.memory_space<vmem>>
    %dma_start3A_108 = tpu.memref_squeeze %dma_start3A_107 : memref<1x16384xf32, #tpu.memory_space<vmem>> -> memref<16384xf32, #tpu.memory_space<vmem>>
    %dma_start3A_109 = tpu.memref_slice %arg3[%add3A_95] : memref<8388608xf32, #tpu.memory_space<hbm>> -> memref<16384xf32, #tpu.memory_space<hbm>>
    %dma_start3A_110 = arith.constant 0 : i32
    %dma_start3A_111 = tpu.memref_slice %arg7[%dma_start3A_105, %dma_start3A_110] : memref<2x16384xf32, #tpu.memory_space<vmem>> -> memref<1x16384xf32, #tpu.memory_space<vmem>>
    %dma_start3A_112 = tpu.memref_squeeze %dma_start3A_111 : memref<1x16384xf32, #tpu.memory_space<vmem>> -> memref<16384xf32, #tpu.memory_space<vmem>>
    %dma_start3A_113 = tpu.memref_slice %arg3[%add3A_95] : memref<8388608xf32, #tpu.memory_space<hbm>> -> memref<16384xf32, #tpu.memory_space<hbm>>
    tpu.enqueue_dma source(%dma_start3A_113 : memref<16384xf32, #tpu.memory_space<hbm>>) target(%dma_start3A_112 : memref<16384xf32, #tpu.memory_space<vmem>>) target_semaphore(%arg10 : memref<!tpu.dma_semaphore, #tpu.memory_space<semaphore_mem>>)
    %dma_start3A_114 = arith.constant 0 : i32
    %dma_start3A_115 = arith.constant 0 : i32
    %dma_start3A_116 = tpu.memref_slice %arg8[%dma_start3A_114, %dma_start3A_115] : memref<2x16384xi32, #tpu.memory_space<vmem>> -> memref<1x16384xi32, #tpu.memory_space<vmem>>
    %dma_start3A_117 = tpu.memref_squeeze %dma_start3A_116 : memref<1x16384xi32, #tpu.memory_space<vmem>> -> memref<16384xi32, #tpu.memory_space<vmem>>
    %dma_start3A_118 = tpu.memref_slice %arg4[%add3A_95] : memref<8388608xi32, #tpu.memory_space<hbm>> -> memref<16384xi32, #tpu.memory_space<hbm>>
    %dma_start3A_119 = arith.constant 0 : i32
    %dma_start3A_120 = tpu.memref_slice %arg8[%dma_start3A_114, %dma_start3A_119] : memref<2x16384xi32, #tpu.memory_space<vmem>> -> memref<1x16384xi32, #tpu.memory_space<vmem>>
    %dma_start3A_121 = tpu.memref_squeeze %dma_start3A_120 : memref<1x16384xi32, #tpu.memory_space<vmem>> -> memref<16384xi32, #tpu.memory_space<vmem>>
    %dma_start3A_122 = tpu.memref_slice %arg4[%add3A_95] : memref<8388608xi32, #tpu.memory_space<hbm>> -> memref<16384xi32, #tpu.memory_space<hbm>>
    tpu.enqueue_dma source(%dma_start3A_122 : memref<16384xi32, #tpu.memory_space<hbm>>) target(%dma_start3A_121 : memref<16384xi32, #tpu.memory_space<vmem>>) target_semaphore(%arg10 : memref<!tpu.dma_semaphore, #tpu.memory_space<semaphore_mem>>)
    %dma_wait3A_123 = arith.constant 1 : i32
    %dma_wait3A_124 = arith.constant 0 : i32
    %dma_wait3A_125 = tpu.memref_slice %arg6[%dma_wait3A_123, %dma_wait3A_124] : memref<2x16384xf32, #tpu.memory_space<vmem>> -> memref<1x16384xf32, #tpu.memory_space<vmem>>
    %dma_wait3A_126 = tpu.memref_squeeze %dma_wait3A_125 : memref<1x16384xf32, #tpu.memory_space<vmem>> -> memref<16384xf32, #tpu.memory_space<vmem>>
    %dma_wait3A_127 = tpu.memref_slice %arg2[%add3A_35] : memref<8388608xf32, #tpu.memory_space<hbm>> -> memref<16384xf32, #tpu.memory_space<hbm>>
    %dma_wait3A_128 = arith.constant 0 : i32
    %dma_wait3A_129 = tpu.memref_slice %arg6[%dma_wait3A_123, %dma_wait3A_128] : memref<2x16384xf32, #tpu.memory_space<vmem>> -> memref<1x16384xf32, #tpu.memory_space<vmem>>
    %dma_wait3A_130 = tpu.memref_squeeze %dma_wait3A_129 : memref<1x16384xf32, #tpu.memory_space<vmem>> -> memref<16384xf32, #tpu.memory_space<vmem>>
    %dma_wait3A_131 = tpu.memref_slice %arg2[%add3A_35] : memref<8388608xf32, #tpu.memory_space<hbm>> -> memref<16384xf32, #tpu.memory_space<hbm>>
    tpu.wait_dma2 semaphore(%arg11 : memref<!tpu.dma_semaphore, #tpu.memory_space<semaphore_mem>>) src(%dma_wait3A_131 : memref<16384xf32, #tpu.memory_space<hbm>>) dst(%dma_wait3A_130 : memref<16384xf32, #tpu.memory_space<vmem>>)
    %dma_wait3A_132 = arith.constant 1 : i32
    %dma_wait3A_133 = arith.constant 0 : i32
    %dma_wait3A_134 = tpu.memref_slice %arg7[%dma_wait3A_132, %dma_wait3A_133] : memref<2x16384xf32, #tpu.memory_space<vmem>> -> memref<1x16384xf32, #tpu.memory_space<vmem>>
    %dma_wait3A_135 = tpu.memref_squeeze %dma_wait3A_134 : memref<1x16384xf32, #tpu.memory_space<vmem>> -> memref<16384xf32, #tpu.memory_space<vmem>>
    %dma_wait3A_136 = tpu.memref_slice %arg3[%add3A_35] : memref<8388608xf32, #tpu.memory_space<hbm>> -> memref<16384xf32, #tpu.memory_space<hbm>>
    %dma_wait3A_137 = arith.constant 0 : i32
    %dma_wait3A_138 = tpu.memref_slice %arg7[%dma_wait3A_132, %dma_wait3A_137] : memref<2x16384xf32, #tpu.memory_space<vmem>> -> memref<1x16384xf32, #tpu.memory_space<vmem>>
    %dma_wait3A_139 = tpu.memref_squeeze %dma_wait3A_138 : memref<1x16384xf32, #tpu.memory_space<vmem>> -> memref<16384xf32, #tpu.memory_space<vmem>>
    %dma_wait3A_140 = tpu.memref_slice %arg3[%add3A_35] : memref<8388608xf32, #tpu.memory_space<hbm>> -> memref<16384xf32, #tpu.memory_space<hbm>>
    tpu.wait_dma2 semaphore(%arg11 : memref<!tpu.dma_semaphore, #tpu.memory_space<semaphore_mem>>) src(%dma_wait3A_140 : memref<16384xf32, #tpu.memory_space<hbm>>) dst(%dma_wait3A_139 : memref<16384xf32, #tpu.memory_space<vmem>>)
    %dma_wait3A_141 = arith.constant 1 : i32
    %dma_wait3A_142 = arith.constant 0 : i32
    %dma_wait3A_143 = tpu.memref_slice %arg8[%dma_wait3A_141, %dma_wait3A_142] : memref<2x16384xi32, #tpu.memory_space<vmem>> -> memref<1x16384xi32, #tpu.memory_space<vmem>>
    %dma_wait3A_144 = tpu.memref_squeeze %dma_wait3A_143 : memref<1x16384xi32, #tpu.memory_space<vmem>> -> memref<16384xi32, #tpu.memory_space<vmem>>
    %dma_wait3A_145 = tpu.memref_slice %arg4[%add3A_35] : memref<8388608xi32, #tpu.memory_space<hbm>> -> memref<16384xi32, #tpu.memory_space<hbm>>
    %dma_wait3A_146 = arith.constant 0 : i32
    %dma_wait3A_147 = tpu.memref_slice %arg8[%dma_wait3A_141, %dma_wait3A_146] : memref<2x16384xi32, #tpu.memory_space<vmem>> -> memref<1x16384xi32, #tpu.memory_space<vmem>>
    %dma_wait3A_148 = tpu.memref_squeeze %dma_wait3A_147 : memref<1x16384xi32, #tpu.memory_space<vmem>> -> memref<16384xi32, #tpu.memory_space<vmem>>
    %dma_wait3A_149 = tpu.memref_slice %arg4[%add3A_35] : memref<8388608xi32, #tpu.memory_space<hbm>> -> memref<16384xi32, #tpu.memory_space<hbm>>
    tpu.wait_dma2 semaphore(%arg11 : memref<!tpu.dma_semaphore, #tpu.memory_space<semaphore_mem>>) src(%dma_wait3A_149 : memref<16384xi32, #tpu.memory_space<hbm>>) dst(%dma_wait3A_148 : memref<16384xi32, #tpu.memory_space<vmem>>)
    %scan3A_150 = arith.constant 0 : i32
    %scan3A_151 = arith.constant 1024 : i32
    %scan3A_152 = arith.addi %scan3A_150, %scan3A_151 : i32
    %scan3A_153 = arith.constant 8 : i32
    %scan3A_154:2 = scf.for %scan3A_196 = %scan3A_150 to %scan3A_152 step %scan3A_153 iter_args(%scan3A_197 = %scan3A_92#0, %scan3A_198 = %scan3A_92#1) -> (vector<16xf32>, vector<16xf32>)  : i32 {
      %mul3A_199 = arith.constant 16 : i32
      %mul3A_200 = arith.muli %scan3A_196, %mul3A_199 : i32
      %get3A = arith.constant 1 : i32
      %get3A_201 = arith.index_cast %get3A : i32 to index
      %get3A_202 = arith.index_cast %mul3A_200 : i32 to index
      %get3A_203 = tpu.vector_load %arg6[%get3A_201, %get3A_202] {strides = array<i32>} : memref<2x16384xf32, #tpu.memory_space<vmem>>, vector<1x16xf32>,
      %get3A_204 = vector.shape_cast %get3A_203 : vector<1x16xf32> to vector<16xf32>
      %get3A_205 = arith.constant 1 : i32
      %get3A_206 = arith.index_cast %get3A_205 : i32 to index
      %get3A_207 = arith.index_cast %mul3A_200 : i32 to index
      %get3A_208 = tpu.vector_load %arg7[%get3A_206, %get3A_207] {strides = array<i32>} : memref<2x16384xf32, #tpu.memory_space<vmem>>, vector<1x16xf32>,
      %get3A_209 = vector.shape_cast %get3A_208 : vector<1x16xf32> to vector<16xf32>
      %get3A_210 = arith.constant 1 : i32
      %get3A_211 = arith.index_cast %get3A_210 : i32 to index
      %get3A_212 = arith.index_cast %mul3A_200 : i32 to index
      %get3A_213 = tpu.vector_load %arg8[%get3A_211, %get3A_212] {strides = array<i32>} : memref<2x16384xi32, #tpu.memory_space<vmem>>, vector<1x16xi32>,
      %get3A_214 = vector.shape_cast %get3A_213 : vector<1x16xi32> to vector<16xi32>
      %gt3A = arith.constant 0 : i32
      %gt3A_215 = vector.broadcast %gt3A : i32 to vector<16xi32>
      %gt3A_216 = arith.cmpi sgt, %get3A_214, %gt3A_215 : vector<16xi32>
      %sub3A = arith.subf %get3A_204, %get3A_209 : vector<16xf32>
      %abs3A = math.absf %sub3A : vector<16xf32>
      %jit3A = arith.constant 0.000000e+00 : f32
      %broadcast_in_dim3A_217 = vector.broadcast %jit3A : f32 to vector<16xf32>
      %select_n3A = arith.select %gt3A_216, %abs3A, %broadcast_in_dim3A_217 : vector<16xi1>, vector<16xf32>
      %add3A_218 = arith.addf %scan3A_197, %select_n3A : vector<16xf32>
      %jit3A_219 = arith.constant 1.000000e+00 : f32
      %jit3A_220 = arith.constant 0.000000e+00 : f32
      %broadcast_in_dim3A_221 = vector.broadcast %jit3A_219 : f32 to vector<16xf32>
      %broadcast_in_dim3A_222 = vector.broadcast %jit3A_220 : f32 to vector<16xf32>
      %select_n3A_223 = arith.select %gt3A_216, %broadcast_in_dim3A_221, %broadcast_in_dim3A_222 : vector<16xi1>, vector<16xf32>
      %add3A_224 = arith.addf %scan3A_198, %select_n3A_223 : vector<16xf32>
      %scan3A_225 = arith.constant 1 : i32
      %scan3A_226 = arith.addi %scan3A_196, %scan3A_225 : i32
      %mul3A_227 = arith.constant 16 : i32
      %mul3A_228 = arith.muli %scan3A_226, %mul3A_227 : i32
      %get3A_229 = arith.constant 1 : i32
      %get3A_230 = arith.index_cast %get3A_229 : i32 to index
      %get3A_231 = arith.index_cast %mul3A_228 : i32 to index
      %get3A_232 = tpu.vector_load %arg6[%get3A_230, %get3A_231] {strides = array<i32>} : memref<2x16384xf32, #tpu.memory_space<vmem>>, vector<1x16xf32>,
      %get3A_233 = vector.shape_cast %get3A_232 : vector<1x16xf32> to vector<16xf32>
      %get3A_234 = arith.constant 1 : i32
      %get3A_235 = arith.index_cast %get3A_234 : i32 to index
      %get3A_236 = arith.index_cast %mul3A_228 : i32 to index
      %get3A_237 = tpu.vector_load %arg7[%get3A_235, %get3A_236] {strides = array<i32>} : memref<2x16384xf32, #tpu.memory_space<vmem>>, vector<1x16xf32>,
      %get3A_238 = vector.shape_cast %get3A_237 : vector<1x16xf32> to vector<16xf32>
      %get3A_239 = arith.constant 1 : i32
      %get3A_240 = arith.index_cast %get3A_239 : i32 to index
      %get3A_241 = arith.index_cast %mul3A_228 : i32 to index
      %get3A_242 = tpu.vector_load %arg8[%get3A_240, %get3A_241] {strides = array<i32>} : memref<2x16384xi32, #tpu.memory_space<vmem>>, vector<1x16xi32>,
      %get3A_243 = vector.shape_cast %get3A_242 : vector<1x16xi32> to vector<16xi32>
      %gt3A_244 = arith.constant 0 : i32
      %gt3A_245 = vector.broadcast %gt3A_244 : i32 to vector<16xi32>
      %gt3A_246 = arith.cmpi sgt, %get3A_243, %gt3A_245 : vector<16xi32>
      %sub3A_247 = arith.subf %get3A_233, %get3A_238 : vector<16xf32>
      %abs3A_248 = math.absf %sub3A_247 : vector<16xf32>
      %jit3A_249 = arith.constant 0.000000e+00 : f32
      %broadcast_in_dim3A_250 = vector.broadcast %jit3A_249 : f32 to vector<16xf32>
      %select_n3A_251 = arith.select %gt3A_246, %abs3A_248, %broadcast_in_dim3A_250 : vector<16xi1>, vector<16xf32>
      %add3A_252 = arith.addf %add3A_218, %select_n3A_251 : vector<16xf32>
      %jit3A_253 = arith.constant 1.000000e+00 : f32
      %jit3A_254 = arith.constant 0.000000e+00 : f32
      %broadcast_in_dim3A_255 = vector.broadcast %jit3A_253 : f32 to vector<16xf32>
      %broadcast_in_dim3A_256 = vector.broadcast %jit3A_254 : f32 to vector<16xf32>
      %select_n3A_257 = arith.select %gt3A_246, %broadcast_in_dim3A_255, %broadcast_in_dim3A_256 : vector<16xi1>, vector<16xf32>
      %add3A_258 = arith.addf %add3A_224, %select_n3A_257 : vector<16xf32>
      %scan3A_259 = arith.constant 2 : i32
      %scan3A_260 = arith.addi %scan3A_196, %scan3A_259 : i32
      %mul3A_261 = arith.constant 16 : i32
      %mul3A_262 = arith.muli %scan3A_260, %mul3A_261 : i32
      %get3A_263 = arith.constant 1 : i32
      %get3A_264 = arith.index_cast %get3A_263 : i32 to index
      %get3A_265 = arith.index_cast %mul3A_262 : i32 to index
      %get3A_266 = tpu.vector_load %arg6[%get3A_264, %get3A_265] {strides = array<i32>} : memref<2x16384xf32, #tpu.memory_space<vmem>>, vector<1x16xf32>,
      %get3A_267 = vector.shape_cast %get3A_266 : vector<1x16xf32> to vector<16xf32>
      %get3A_268 = arith.constant 1 : i32
      %get3A_269 = arith.index_cast %get3A_268 : i32 to index
      %get3A_270 = arith.index_cast %mul3A_262 : i32 to index
      %get3A_271 = tpu.vector_load %arg7[%get3A_269, %get3A_270] {strides = array<i32>} : memref<2x16384xf32, #tpu.memory_space<vmem>>, vector<1x16xf32>,
      %get3A_272 = vector.shape_cast %get3A_271 : vector<1x16xf32> to vector<16xf32>
      %get3A_273 = arith.constant 1 : i32
      %get3A_274 = arith.index_cast %get3A_273 : i32 to index
      %get3A_275 = arith.index_cast %mul3A_262 : i32 to index
      %get3A_276 = tpu.vector_load %arg8[%get3A_274, %get3A_275] {strides = array<i32>} : memref<2x16384xi32, #tpu.memory_space<vmem>>, vector<1x16xi32>,
      %get3A_277 = vector.shape_cast %get3A_276 : vector<1x16xi32> to vector<16xi32>
      %gt3A_278 = arith.constant 0 : i32
      %gt3A_279 = vector.broadcast %gt3A_278 : i32 to vector<16xi32>
      %gt3A_280 = arith.cmpi sgt, %get3A_277, %gt3A_279 : vector<16xi32>
      %sub3A_281 = arith.subf %get3A_267, %get3A_272 : vector<16xf32>
      %abs3A_282 = math.absf %sub3A_281 : vector<16xf32>
      %jit3A_283 = arith.constant 0.000000e+00 : f32
      %broadcast_in_dim3A_284 = vector.broadcast %jit3A_283 : f32 to vector<16xf32>
      %select_n3A_285 = arith.select %gt3A_280, %abs3A_282, %broadcast_in_dim3A_284 : vector<16xi1>, vector<16xf32>
      %add3A_286 = arith.addf %add3A_252, %select_n3A_285 : vector<16xf32>
      %jit3A_287 = arith.constant 1.000000e+00 : f32
      %jit3A_288 = arith.constant 0.000000e+00 : f32
      %broadcast_in_dim3A_289 = vector.broadcast %jit3A_287 : f32 to vector<16xf32>
      %broadcast_in_dim3A_290 = vector.broadcast %jit3A_288 : f32 to vector<16xf32>
      %select_n3A_291 = arith.select %gt3A_280, %broadcast_in_dim3A_289, %broadcast_in_dim3A_290 : vector<16xi1>, vector<16xf32>
      %add3A_292 = arith.addf %add3A_258, %select_n3A_291 : vector<16xf32>
      %scan3A_293 = arith.constant 3 : i32
      %scan3A_294 = arith.addi %scan3A_196, %scan3A_293 : i32
      %mul3A_295 = arith.constant 16 : i32
      %mul3A_296 = arith.muli %scan3A_294, %mul3A_295 : i32
      %get3A_297 = arith.constant 1 : i32
      %get3A_298 = arith.index_cast %get3A_297 : i32 to index
      %get3A_299 = arith.index_cast %mul3A_296 : i32 to index
      %get3A_300 = tpu.vector_load %arg6[%get3A_298, %get3A_299] {strides = array<i32>} : memref<2x16384xf32, #tpu.memory_space<vmem>>, vector<1x16xf32>,
      %get3A_301 = vector.shape_cast %get3A_300 : vector<1x16xf32> to vector<16xf32>
      %get3A_302 = arith.constant 1 : i32
      %get3A_303 = arith.index_cast %get3A_302 : i32 to index
      %get3A_304 = arith.index_cast %mul3A_296 : i32 to index
      %get3A_305 = tpu.vector_load %arg7[%get3A_303, %get3A_304] {strides = array<i32>} : memref<2x16384xf32, #tpu.memory_space<vmem>>, vector<1x16xf32>,
      %get3A_306 = vector.shape_cast %get3A_305 : vector<1x16xf32> to vector<16xf32>
      %get3A_307 = arith.constant 1 : i32
      %get3A_308 = arith.index_cast %get3A_307 : i32 to index
      %get3A_309 = arith.index_cast %mul3A_296 : i32 to index
      %get3A_310 = tpu.vector_load %arg8[%get3A_308, %get3A_309] {strides = array<i32>} : memref<2x16384xi32, #tpu.memory_space<vmem>>, vector<1x16xi32>,
      %get3A_311 = vector.shape_cast %get3A_310 : vector<1x16xi32> to vector<16xi32>
      %gt3A_312 = arith.constant 0 : i32
      %gt3A_313 = vector.broadcast %gt3A_312 : i32 to vector<16xi32>
      %gt3A_314 = arith.cmpi sgt, %get3A_311, %gt3A_313 : vector<16xi32>
      %sub3A_315 = arith.subf %get3A_301, %get3A_306 : vector<16xf32>
      %abs3A_316 = math.absf %sub3A_315 : vector<16xf32>
      %jit3A_317 = arith.constant 0.000000e+00 : f32
      %broadcast_in_dim3A_318 = vector.broadcast %jit3A_317 : f32 to vector<16xf32>
      %select_n3A_319 = arith.select %gt3A_314, %abs3A_316, %broadcast_in_dim3A_318 : vector<16xi1>, vector<16xf32>
      %add3A_320 = arith.addf %add3A_286, %select_n3A_319 : vector<16xf32>
      %jit3A_321 = arith.constant 1.000000e+00 : f32
      %jit3A_322 = arith.constant 0.000000e+00 : f32
      %broadcast_in_dim3A_323 = vector.broadcast %jit3A_321 : f32 to vector<16xf32>
      %broadcast_in_dim3A_324 = vector.broadcast %jit3A_322 : f32 to vector<16xf32>
      %select_n3A_325 = arith.select %gt3A_314, %broadcast_in_dim3A_323, %broadcast_in_dim3A_324 : vector<16xi1>, vector<16xf32>
      %add3A_326 = arith.addf %add3A_292, %select_n3A_325 : vector<16xf32>
      %scan3A_327 = arith.constant 4 : i32
      %scan3A_328 = arith.addi %scan3A_196, %scan3A_327 : i32
      %mul3A_329 = arith.constant 16 : i32
      %mul3A_330 = arith.muli %scan3A_328, %mul3A_329 : i32
      %get3A_331 = arith.constant 1 : i32
      %get3A_332 = arith.index_cast %get3A_331 : i32 to index
      %get3A_333 = arith.index_cast %mul3A_330 : i32 to index
      %get3A_334 = tpu.vector_load %arg6[%get3A_332, %get3A_333] {strides = array<i32>} : memref<2x16384xf32, #tpu.memory_space<vmem>>, vector<1x16xf32>,
      %get3A_335 = vector.shape_cast %get3A_334 : vector<1x16xf32> to vector<16xf32>
      %get3A_336 = arith.constant 1 : i32
      %get3A_337 = arith.index_cast %get3A_336 : i32 to index
      %get3A_338 = arith.index_cast %mul3A_330 : i32 to index
      %get3A_339 = tpu.vector_load %arg7[%get3A_337, %get3A_338] {strides = array<i32>} : memref<2x16384xf32, #tpu.memory_space<vmem>>, vector<1x16xf32>,
      %get3A_340 = vector.shape_cast %get3A_339 : vector<1x16xf32> to vector<16xf32>
      %get3A_341 = arith.constant 1 : i32
      %get3A_342 = arith.index_cast %get3A_341 : i32 to index
      %get3A_343 = arith.index_cast %mul3A_330 : i32 to index
      %get3A_344 = tpu.vector_load %arg8[%get3A_342, %get3A_343] {strides = array<i32>} : memref<2x16384xi32, #tpu.memory_space<vmem>>, vector<1x16xi32>,
      %get3A_345 = vector.shape_cast %get3A_344 : vector<1x16xi32> to vector<16xi32>
      %gt3A_346 = arith.constant 0 : i32
      %gt3A_347 = vector.broadcast %gt3A_346 : i32 to vector<16xi32>
      %gt3A_348 = arith.cmpi sgt, %get3A_345, %gt3A_347 : vector<16xi32>
      %sub3A_349 = arith.subf %get3A_335, %get3A_340 : vector<16xf32>
      %abs3A_350 = math.absf %sub3A_349 : vector<16xf32>
      %jit3A_351 = arith.constant 0.000000e+00 : f32
      %broadcast_in_dim3A_352 = vector.broadcast %jit3A_351 : f32 to vector<16xf32>
      %select_n3A_353 = arith.select %gt3A_348, %abs3A_350, %broadcast_in_dim3A_352 : vector<16xi1>, vector<16xf32>
      %add3A_354 = arith.addf %add3A_320, %select_n3A_353 : vector<16xf32>
      %jit3A_355 = arith.constant 1.000000e+00 : f32
      %jit3A_356 = arith.constant 0.000000e+00 : f32
      %broadcast_in_dim3A_357 = vector.broadcast %jit3A_355 : f32 to vector<16xf32>
      %broadcast_in_dim3A_358 = vector.broadcast %jit3A_356 : f32 to vector<16xf32>
      %select_n3A_359 = arith.select %gt3A_348, %broadcast_in_dim3A_357, %broadcast_in_dim3A_358 : vector<16xi1>, vector<16xf32>
      %add3A_360 = arith.addf %add3A_326, %select_n3A_359 : vector<16xf32>
      %scan3A_361 = arith.constant 5 : i32
      %scan3A_362 = arith.addi %scan3A_196, %scan3A_361 : i32
      %mul3A_363 = arith.constant 16 : i32
      %mul3A_364 = arith.muli %scan3A_362, %mul3A_363 : i32
      %get3A_365 = arith.constant 1 : i32
      %get3A_366 = arith.index_cast %get3A_365 : i32 to index
      %get3A_367 = arith.index_cast %mul3A_364 : i32 to index
      %get3A_368 = tpu.vector_load %arg6[%get3A_366, %get3A_367] {strides = array<i32>} : memref<2x16384xf32, #tpu.memory_space<vmem>>, vector<1x16xf32>,
      %get3A_369 = vector.shape_cast %get3A_368 : vector<1x16xf32> to vector<16xf32>
      %get3A_370 = arith.constant 1 : i32
      %get3A_371 = arith.index_cast %get3A_370 : i32 to index
      %get3A_372 = arith.index_cast %mul3A_364 : i32 to index
      %get3A_373 = tpu.vector_load %arg7[%get3A_371, %get3A_372] {strides = array<i32>} : memref<2x16384xf32, #tpu.memory_space<vmem>>, vector<1x16xf32>,
      %get3A_374 = vector.shape_cast %get3A_373 : vector<1x16xf32> to vector<16xf32>
      %get3A_375 = arith.constant 1 : i32
      %get3A_376 = arith.index_cast %get3A_375 : i32 to index
      %get3A_377 = arith.index_cast %mul3A_364 : i32 to index
      %get3A_378 = tpu.vector_load %arg8[%get3A_376, %get3A_377] {strides = array<i32>} : memref<2x16384xi32, #tpu.memory_space<vmem>>, vector<1x16xi32>,
      %get3A_379 = vector.shape_cast %get3A_378 : vector<1x16xi32> to vector<16xi32>
      %gt3A_380 = arith.constant 0 : i32
      %gt3A_381 = vector.broadcast %gt3A_380 : i32 to vector<16xi32>
      %gt3A_382 = arith.cmpi sgt, %get3A_379, %gt3A_381 : vector<16xi32>
      %sub3A_383 = arith.subf %get3A_369, %get3A_374 : vector<16xf32>
      %abs3A_384 = math.absf %sub3A_383 : vector<16xf32>
      %jit3A_385 = arith.constant 0.000000e+00 : f32
      %broadcast_in_dim3A_386 = vector.broadcast %jit3A_385 : f32 to vector<16xf32>
      %select_n3A_387 = arith.select %gt3A_382, %abs3A_384, %broadcast_in_dim3A_386 : vector<16xi1>, vector<16xf32>
      %add3A_388 = arith.addf %add3A_354, %select_n3A_387 : vector<16xf32>
      %jit3A_389 = arith.constant 1.000000e+00 : f32
      %jit3A_390 = arith.constant 0.000000e+00 : f32
      %broadcast_in_dim3A_391 = vector.broadcast %jit3A_389 : f32 to vector<16xf32>
      %broadcast_in_dim3A_392 = vector.broadcast %jit3A_390 : f32 to vector<16xf32>
      %select_n3A_393 = arith.select %gt3A_382, %broadcast_in_dim3A_391, %broadcast_in_dim3A_392 : vector<16xi1>, vector<16xf32>
      %add3A_394 = arith.addf %add3A_360, %select_n3A_393 : vector<16xf32>
      %scan3A_395 = arith.constant 6 : i32
      %scan3A_396 = arith.addi %scan3A_196, %scan3A_395 : i32
      %mul3A_397 = arith.constant 16 : i32
      %mul3A_398 = arith.muli %scan3A_396, %mul3A_397 : i32
      %get3A_399 = arith.constant 1 : i32
      %get3A_400 = arith.index_cast %get3A_399 : i32 to index
      %get3A_401 = arith.index_cast %mul3A_398 : i32 to index
      %get3A_402 = tpu.vector_load %arg6[%get3A_400, %get3A_401] {strides = array<i32>} : memref<2x16384xf32, #tpu.memory_space<vmem>>, vector<1x16xf32>,
      %get3A_403 = vector.shape_cast %get3A_402 : vector<1x16xf32> to vector<16xf32>
      %get3A_404 = arith.constant 1 : i32
      %get3A_405 = arith.index_cast %get3A_404 : i32 to index
      %get3A_406 = arith.index_cast %mul3A_398 : i32 to index
      %get3A_407 = tpu.vector_load %arg7[%get3A_405, %get3A_406] {strides = array<i32>} : memref<2x16384xf32, #tpu.memory_space<vmem>>, vector<1x16xf32>,
      %get3A_408 = vector.shape_cast %get3A_407 : vector<1x16xf32> to vector<16xf32>
      %get3A_409 = arith.constant 1 : i32
      %get3A_410 = arith.index_cast %get3A_409 : i32 to index
      %get3A_411 = arith.index_cast %mul3A_398 : i32 to index
      %get3A_412 = tpu.vector_load %arg8[%get3A_410, %get3A_411] {strides = array<i32>} : memref<2x16384xi32, #tpu.memory_space<vmem>>, vector<1x16xi32>,
      %get3A_413 = vector.shape_cast %get3A_412 : vector<1x16xi32> to vector<16xi32>
      %gt3A_414 = arith.constant 0 : i32
      %gt3A_415 = vector.broadcast %gt3A_414 : i32 to vector<16xi32>
      %gt3A_416 = arith.cmpi sgt, %get3A_413, %gt3A_415 : vector<16xi32>
      %sub3A_417 = arith.subf %get3A_403, %get3A_408 : vector<16xf32>
      %abs3A_418 = math.absf %sub3A_417 : vector<16xf32>
      %jit3A_419 = arith.constant 0.000000e+00 : f32
      %broadcast_in_dim3A_420 = vector.broadcast %jit3A_419 : f32 to vector<16xf32>
      %select_n3A_421 = arith.select %gt3A_416, %abs3A_418, %broadcast_in_dim3A_420 : vector<16xi1>, vector<16xf32>
      %add3A_422 = arith.addf %add3A_388, %select_n3A_421 : vector<16xf32>
      %jit3A_423 = arith.constant 1.000000e+00 : f32
      %jit3A_424 = arith.constant 0.000000e+00 : f32
      %broadcast_in_dim3A_425 = vector.broadcast %jit3A_423 : f32 to vector<16xf32>
      %broadcast_in_dim3A_426 = vector.broadcast %jit3A_424 : f32 to vector<16xf32>
      %select_n3A_427 = arith.select %gt3A_416, %broadcast_in_dim3A_425, %broadcast_in_dim3A_426 : vector<16xi1>, vector<16xf32>
      %add3A_428 = arith.addf %add3A_394, %select_n3A_427 : vector<16xf32>
      %scan3A_429 = arith.constant 7 : i32
      %scan3A_430 = arith.addi %scan3A_196, %scan3A_429 : i32
      %mul3A_431 = arith.constant 16 : i32
      %mul3A_432 = arith.muli %scan3A_430, %mul3A_431 : i32
      %get3A_433 = arith.constant 1 : i32
      %get3A_434 = arith.index_cast %get3A_433 : i32 to index
      %get3A_435 = arith.index_cast %mul3A_432 : i32 to index
      %get3A_436 = tpu.vector_load %arg6[%get3A_434, %get3A_435] {strides = array<i32>} : memref<2x16384xf32, #tpu.memory_space<vmem>>, vector<1x16xf32>,
      %get3A_437 = vector.shape_cast %get3A_436 : vector<1x16xf32> to vector<16xf32>
      %get3A_438 = arith.constant 1 : i32
      %get3A_439 = arith.index_cast %get3A_438 : i32 to index
      %get3A_440 = arith.index_cast %mul3A_432 : i32 to index
      %get3A_441 = tpu.vector_load %arg7[%get3A_439, %get3A_440] {strides = array<i32>} : memref<2x16384xf32, #tpu.memory_space<vmem>>, vector<1x16xf32>,
      %get3A_442 = vector.shape_cast %get3A_441 : vector<1x16xf32> to vector<16xf32>
      %get3A_443 = arith.constant 1 : i32
      %get3A_444 = arith.index_cast %get3A_443 : i32 to index
      %get3A_445 = arith.index_cast %mul3A_432 : i32 to index
      %get3A_446 = tpu.vector_load %arg8[%get3A_444, %get3A_445] {strides = array<i32>} : memref<2x16384xi32, #tpu.memory_space<vmem>>, vector<1x16xi32>,
      %get3A_447 = vector.shape_cast %get3A_446 : vector<1x16xi32> to vector<16xi32>
      %gt3A_448 = arith.constant 0 : i32
      %gt3A_449 = vector.broadcast %gt3A_448 : i32 to vector<16xi32>
      %gt3A_450 = arith.cmpi sgt, %get3A_447, %gt3A_449 : vector<16xi32>
      %sub3A_451 = arith.subf %get3A_437, %get3A_442 : vector<16xf32>
      %abs3A_452 = math.absf %sub3A_451 : vector<16xf32>
      %jit3A_453 = arith.constant 0.000000e+00 : f32
      %broadcast_in_dim3A_454 = vector.broadcast %jit3A_453 : f32 to vector<16xf32>
      %select_n3A_455 = arith.select %gt3A_450, %abs3A_452, %broadcast_in_dim3A_454 : vector<16xi1>, vector<16xf32>
      %add3A_456 = arith.addf %add3A_422, %select_n3A_455 : vector<16xf32>
      %jit3A_457 = arith.constant 1.000000e+00 : f32
      %jit3A_458 = arith.constant 0.000000e+00 : f32
      %broadcast_in_dim3A_459 = vector.broadcast %jit3A_457 : f32 to vector<16xf32>
      %broadcast_in_dim3A_460 = vector.broadcast %jit3A_458 : f32 to vector<16xf32>
      %select_n3A_461 = arith.select %gt3A_450, %broadcast_in_dim3A_459, %broadcast_in_dim3A_460 : vector<16xi1>, vector<16xf32>
      %add3A_462 = arith.addf %add3A_428, %select_n3A_461 : vector<16xf32>
      scf.yield %add3A_456, %add3A_462 : vector<16xf32>, vector<16xf32>
    }
    %scan3A_155 = arith.constant 1024 : i32
    %dma_wait3A_156 = arith.constant 0 : i32
    %dma_wait3A_157 = arith.constant 0 : i32
    %dma_wait3A_158 = tpu.memref_slice %arg6[%dma_wait3A_156, %dma_wait3A_157] : memref<2x16384xf32, #tpu.memory_space<vmem>> -> memref<1x16384xf32, #tpu.memory_space<vmem>>
    %dma_wait3A_159 = tpu.memref_squeeze %dma_wait3A_158 : memref<1x16384xf32, #tpu.memory_space<vmem>> -> memref<16384xf32, #tpu.memory_space<vmem>>
    %dma_wait3A_160 = tpu.memref_slice %arg2[%add3A_95] : memref<8388608xf32, #tpu.memory_space<hbm>> -> memref<16384xf32, #tpu.memory_space<hbm>>
    %dma_wait3A_161 = arith.constant 0 : i32
    %dma_wait3A_162 = tpu.memref_slice %arg6[%dma_wait3A_156, %dma_wait3A_161] : memref<2x16384xf32, #tpu.memory_space<vmem>> -> memref<1x16384xf32, #tpu.memory_space<vmem>>
    %dma_wait3A_163 = tpu.memref_squeeze %dma_wait3A_162 : memref<1x16384xf32, #tpu.memory_space<vmem>> -> memref<16384xf32, #tpu.memory_space<vmem>>
    %dma_wait3A_164 = tpu.memref_slice %arg2[%add3A_95] : memref<8388608xf32, #tpu.memory_space<hbm>> -> memref<16384xf32, #tpu.memory_space<hbm>>
    tpu.wait_dma2 semaphore(%arg10 : memref<!tpu.dma_semaphore, #tpu.memory_space<semaphore_mem>>) src(%dma_wait3A_164 : memref<16384xf32, #tpu.memory_space<hbm>>) dst(%dma_wait3A_163 : memref<16384xf32, #tpu.memory_space<vmem>>)
    %dma_wait3A_165 = arith.constant 0 : i32
    %dma_wait3A_166 = arith.constant 0 : i32
    %dma_wait3A_167 = tpu.memref_slice %arg7[%dma_wait3A_165, %dma_wait3A_166] : memref<2x16384xf32, #tpu.memory_space<vmem>> -> memref<1x16384xf32, #tpu.memory_space<vmem>>
    %dma_wait3A_168 = tpu.memref_squeeze %dma_wait3A_167 : memref<1x16384xf32, #tpu.memory_space<vmem>> -> memref<16384xf32, #tpu.memory_space<vmem>>
    %dma_wait3A_169 = tpu.memref_slice %arg3[%add3A_95] : memref<8388608xf32, #tpu.memory_space<hbm>> -> memref<16384xf32, #tpu.memory_space<hbm>>
    %dma_wait3A_170 = arith.constant 0 : i32
    %dma_wait3A_171 = tpu.memref_slice %arg7[%dma_wait3A_165, %dma_wait3A_170] : memref<2x16384xf32, #tpu.memory_space<vmem>> -> memref<1x16384xf32, #tpu.memory_space<vmem>>
    %dma_wait3A_172 = tpu.memref_squeeze %dma_wait3A_171 : memref<1x16384xf32, #tpu.memory_space<vmem>> -> memref<16384xf32, #tpu.memory_space<vmem>>
    %dma_wait3A_173 = tpu.memref_slice %arg3[%add3A_95] : memref<8388608xf32, #tpu.memory_space<hbm>> -> memref<16384xf32, #tpu.memory_space<hbm>>
    tpu.wait_dma2 semaphore(%arg10 : memref<!tpu.dma_semaphore, #tpu.memory_space<semaphore_mem>>) src(%dma_wait3A_173 : memref<16384xf32, #tpu.memory_space<hbm>>) dst(%dma_wait3A_172 : memref<16384xf32, #tpu.memory_space<vmem>>)
    %dma_wait3A_174 = arith.constant 0 : i32
    %dma_wait3A_175 = arith.constant 0 : i32
    %dma_wait3A_176 = tpu.memref_slice %arg8[%dma_wait3A_174, %dma_wait3A_175] : memref<2x16384xi32, #tpu.memory_space<vmem>> -> memref<1x16384xi32, #tpu.memory_space<vmem>>
    %dma_wait3A_177 = tpu.memref_squeeze %dma_wait3A_176 : memref<1x16384xi32, #tpu.memory_space<vmem>> -> memref<16384xi32, #tpu.memory_space<vmem>>
    %dma_wait3A_178 = tpu.memref_slice %arg4[%add3A_95] : memref<8388608xi32, #tpu.memory_space<hbm>> -> memref<16384xi32, #tpu.memory_space<hbm>>
    %dma_wait3A_179 = arith.constant 0 : i32
    %dma_wait3A_180 = tpu.memref_slice %arg8[%dma_wait3A_174, %dma_wait3A_179] : memref<2x16384xi32, #tpu.memory_space<vmem>> -> memref<1x16384xi32, #tpu.memory_space<vmem>>
    %dma_wait3A_181 = tpu.memref_squeeze %dma_wait3A_180 : memref<1x16384xi32, #tpu.memory_space<vmem>> -> memref<16384xi32, #tpu.memory_space<vmem>>
    %dma_wait3A_182 = tpu.memref_slice %arg4[%add3A_95] : memref<8388608xi32, #tpu.memory_space<hbm>> -> memref<16384xi32, #tpu.memory_space<hbm>>
    tpu.wait_dma2 semaphore(%arg10 : memref<!tpu.dma_semaphore, #tpu.memory_space<semaphore_mem>>) src(%dma_wait3A_182 : memref<16384xi32, #tpu.memory_space<hbm>>) dst(%dma_wait3A_181 : memref<16384xi32, #tpu.memory_space<vmem>>)
    %scan3A_183 = arith.constant 0 : i32
    %scan3A_184 = arith.constant 1024 : i32
    %scan3A_185 = arith.addi %scan3A_183, %scan3A_184 : i32
    %scan3A_186 = arith.constant 8 : i32
    %scan3A_187:2 = scf.for %scan3A_196 = %scan3A_183 to %scan3A_185 step %scan3A_186 iter_args(%scan3A_197 = %scan3A_154#0, %scan3A_198 = %scan3A_154#1) -> (vector<16xf32>, vector<16xf32>)  : i32 {
      %mul3A_199 = arith.constant 16 : i32
      %mul3A_200 = arith.muli %scan3A_196, %mul3A_199 : i32
      %get3A = arith.constant 0 : i32
      %get3A_201 = arith.index_cast %get3A : i32 to index
      %get3A_202 = arith.index_cast %mul3A_200 : i32 to index
      %get3A_203 = tpu.vector_load %arg6[%get3A_201, %get3A_202] {strides = array<i32>} : memref<2x16384xf32, #tpu.memory_space<vmem>>, vector<1x16xf32>,
      %get3A_204 = vector.shape_cast %get3A_203 : vector<1x16xf32> to vector<16xf32>
      %get3A_205 = arith.constant 0 : i32
      %get3A_206 = arith.index_cast %get3A_205 : i32 to index
      %get3A_207 = arith.index_cast %mul3A_200 : i32 to index
      %get3A_208 = tpu.vector_load %arg7[%get3A_206, %get3A_207] {strides = array<i32>} : memref<2x16384xf32, #tpu.memory_space<vmem>>, vector<1x16xf32>,
      %get3A_209 = vector.shape_cast %get3A_208 : vector<1x16xf32> to vector<16xf32>
      %get3A_210 = arith.constant 0 : i32
      %get3A_211 = arith.index_cast %get3A_210 : i32 to index
      %get3A_212 = arith.index_cast %mul3A_200 : i32 to index
      %get3A_213 = tpu.vector_load %arg8[%get3A_211, %get3A_212] {strides = array<i32>} : memref<2x16384xi32, #tpu.memory_space<vmem>>, vector<1x16xi32>,
      %get3A_214 = vector.shape_cast %get3A_213 : vector<1x16xi32> to vector<16xi32>
      %gt3A = arith.constant 0 : i32
      %gt3A_215 = vector.broadcast %gt3A : i32 to vector<16xi32>
      %gt3A_216 = arith.cmpi sgt, %get3A_214, %gt3A_215 : vector<16xi32>
      %sub3A = arith.subf %get3A_204, %get3A_209 : vector<16xf32>
      %abs3A = math.absf %sub3A : vector<16xf32>
      %jit3A = arith.constant 0.000000e+00 : f32
      %broadcast_in_dim3A_217 = vector.broadcast %jit3A : f32 to vector<16xf32>
      %select_n3A = arith.select %gt3A_216, %abs3A, %broadcast_in_dim3A_217 : vector<16xi1>, vector<16xf32>
      %add3A_218 = arith.addf %scan3A_197, %select_n3A : vector<16xf32>
      %jit3A_219 = arith.constant 1.000000e+00 : f32
      %jit3A_220 = arith.constant 0.000000e+00 : f32
      %broadcast_in_dim3A_221 = vector.broadcast %jit3A_219 : f32 to vector<16xf32>
      %broadcast_in_dim3A_222 = vector.broadcast %jit3A_220 : f32 to vector<16xf32>
      %select_n3A_223 = arith.select %gt3A_216, %broadcast_in_dim3A_221, %broadcast_in_dim3A_222 : vector<16xi1>, vector<16xf32>
      %add3A_224 = arith.addf %scan3A_198, %select_n3A_223 : vector<16xf32>
      %scan3A_225 = arith.constant 1 : i32
      %scan3A_226 = arith.addi %scan3A_196, %scan3A_225 : i32
      %mul3A_227 = arith.constant 16 : i32
      %mul3A_228 = arith.muli %scan3A_226, %mul3A_227 : i32
      %get3A_229 = arith.constant 0 : i32
      %get3A_230 = arith.index_cast %get3A_229 : i32 to index
      %get3A_231 = arith.index_cast %mul3A_228 : i32 to index
      %get3A_232 = tpu.vector_load %arg6[%get3A_230, %get3A_231] {strides = array<i32>} : memref<2x16384xf32, #tpu.memory_space<vmem>>, vector<1x16xf32>,
      %get3A_233 = vector.shape_cast %get3A_232 : vector<1x16xf32> to vector<16xf32>
      %get3A_234 = arith.constant 0 : i32
      %get3A_235 = arith.index_cast %get3A_234 : i32 to index
      %get3A_236 = arith.index_cast %mul3A_228 : i32 to index
      %get3A_237 = tpu.vector_load %arg7[%get3A_235, %get3A_236] {strides = array<i32>} : memref<2x16384xf32, #tpu.memory_space<vmem>>, vector<1x16xf32>,
      %get3A_238 = vector.shape_cast %get3A_237 : vector<1x16xf32> to vector<16xf32>
      %get3A_239 = arith.constant 0 : i32
      %get3A_240 = arith.index_cast %get3A_239 : i32 to index
      %get3A_241 = arith.index_cast %mul3A_228 : i32 to index
      %get3A_242 = tpu.vector_load %arg8[%get3A_240, %get3A_241] {strides = array<i32>} : memref<2x16384xi32, #tpu.memory_space<vmem>>, vector<1x16xi32>,
      %get3A_243 = vector.shape_cast %get3A_242 : vector<1x16xi32> to vector<16xi32>
      %gt3A_244 = arith.constant 0 : i32
      %gt3A_245 = vector.broadcast %gt3A_244 : i32 to vector<16xi32>
      %gt3A_246 = arith.cmpi sgt, %get3A_243, %gt3A_245 : vector<16xi32>
      %sub3A_247 = arith.subf %get3A_233, %get3A_238 : vector<16xf32>
      %abs3A_248 = math.absf %sub3A_247 : vector<16xf32>
      %jit3A_249 = arith.constant 0.000000e+00 : f32
      %broadcast_in_dim3A_250 = vector.broadcast %jit3A_249 : f32 to vector<16xf32>
      %select_n3A_251 = arith.select %gt3A_246, %abs3A_248, %broadcast_in_dim3A_250 : vector<16xi1>, vector<16xf32>
      %add3A_252 = arith.addf %add3A_218, %select_n3A_251 : vector<16xf32>
      %jit3A_253 = arith.constant 1.000000e+00 : f32
      %jit3A_254 = arith.constant 0.000000e+00 : f32
      %broadcast_in_dim3A_255 = vector.broadcast %jit3A_253 : f32 to vector<16xf32>
      %broadcast_in_dim3A_256 = vector.broadcast %jit3A_254 : f32 to vector<16xf32>
      %select_n3A_257 = arith.select %gt3A_246, %broadcast_in_dim3A_255, %broadcast_in_dim3A_256 : vector<16xi1>, vector<16xf32>
      %add3A_258 = arith.addf %add3A_224, %select_n3A_257 : vector<16xf32>
      %scan3A_259 = arith.constant 2 : i32
      %scan3A_260 = arith.addi %scan3A_196, %scan3A_259 : i32
      %mul3A_261 = arith.constant 16 : i32
      %mul3A_262 = arith.muli %scan3A_260, %mul3A_261 : i32
      %get3A_263 = arith.constant 0 : i32
      %get3A_264 = arith.index_cast %get3A_263 : i32 to index
      %get3A_265 = arith.index_cast %mul3A_262 : i32 to index
      %get3A_266 = tpu.vector_load %arg6[%get3A_264, %get3A_265] {strides = array<i32>} : memref<2x16384xf32, #tpu.memory_space<vmem>>, vector<1x16xf32>,
      %get3A_267 = vector.shape_cast %get3A_266 : vector<1x16xf32> to vector<16xf32>
      %get3A_268 = arith.constant 0 : i32
      %get3A_269 = arith.index_cast %get3A_268 : i32 to index
      %get3A_270 = arith.index_cast %mul3A_262 : i32 to index
      %get3A_271 = tpu.vector_load %arg7[%get3A_269, %get3A_270] {strides = array<i32>} : memref<2x16384xf32, #tpu.memory_space<vmem>>, vector<1x16xf32>,
      %get3A_272 = vector.shape_cast %get3A_271 : vector<1x16xf32> to vector<16xf32>
      %get3A_273 = arith.constant 0 : i32
      %get3A_274 = arith.index_cast %get3A_273 : i32 to index
      %get3A_275 = arith.index_cast %mul3A_262 : i32 to index
      %get3A_276 = tpu.vector_load %arg8[%get3A_274, %get3A_275] {strides = array<i32>} : memref<2x16384xi32, #tpu.memory_space<vmem>>, vector<1x16xi32>,
      %get3A_277 = vector.shape_cast %get3A_276 : vector<1x16xi32> to vector<16xi32>
      %gt3A_278 = arith.constant 0 : i32
      %gt3A_279 = vector.broadcast %gt3A_278 : i32 to vector<16xi32>
      %gt3A_280 = arith.cmpi sgt, %get3A_277, %gt3A_279 : vector<16xi32>
      %sub3A_281 = arith.subf %get3A_267, %get3A_272 : vector<16xf32>
      %abs3A_282 = math.absf %sub3A_281 : vector<16xf32>
      %jit3A_283 = arith.constant 0.000000e+00 : f32
      %broadcast_in_dim3A_284 = vector.broadcast %jit3A_283 : f32 to vector<16xf32>
      %select_n3A_285 = arith.select %gt3A_280, %abs3A_282, %broadcast_in_dim3A_284 : vector<16xi1>, vector<16xf32>
      %add3A_286 = arith.addf %add3A_252, %select_n3A_285 : vector<16xf32>
      %jit3A_287 = arith.constant 1.000000e+00 : f32
      %jit3A_288 = arith.constant 0.000000e+00 : f32
      %broadcast_in_dim3A_289 = vector.broadcast %jit3A_287 : f32 to vector<16xf32>
      %broadcast_in_dim3A_290 = vector.broadcast %jit3A_288 : f32 to vector<16xf32>
      %select_n3A_291 = arith.select %gt3A_280, %broadcast_in_dim3A_289, %broadcast_in_dim3A_290 : vector<16xi1>, vector<16xf32>
      %add3A_292 = arith.addf %add3A_258, %select_n3A_291 : vector<16xf32>
      %scan3A_293 = arith.constant 3 : i32
      %scan3A_294 = arith.addi %scan3A_196, %scan3A_293 : i32
      %mul3A_295 = arith.constant 16 : i32
      %mul3A_296 = arith.muli %scan3A_294, %mul3A_295 : i32
      %get3A_297 = arith.constant 0 : i32
      %get3A_298 = arith.index_cast %get3A_297 : i32 to index
      %get3A_299 = arith.index_cast %mul3A_296 : i32 to index
      %get3A_300 = tpu.vector_load %arg6[%get3A_298, %get3A_299] {strides = array<i32>} : memref<2x16384xf32, #tpu.memory_space<vmem>>, vector<1x16xf32>,
      %get3A_301 = vector.shape_cast %get3A_300 : vector<1x16xf32> to vector<16xf32>
      %get3A_302 = arith.constant 0 : i32
      %get3A_303 = arith.index_cast %get3A_302 : i32 to index
      %get3A_304 = arith.index_cast %mul3A_296 : i32 to index
      %get3A_305 = tpu.vector_load %arg7[%get3A_303, %get3A_304] {strides = array<i32>} : memref<2x16384xf32, #tpu.memory_space<vmem>>, vector<1x16xf32>,
      %get3A_306 = vector.shape_cast %get3A_305 : vector<1x16xf32> to vector<16xf32>
      %get3A_307 = arith.constant 0 : i32
      %get3A_308 = arith.index_cast %get3A_307 : i32 to index
      %get3A_309 = arith.index_cast %mul3A_296 : i32 to index
      %get3A_310 = tpu.vector_load %arg8[%get3A_308, %get3A_309] {strides = array<i32>} : memref<2x16384xi32, #tpu.memory_space<vmem>>, vector<1x16xi32>,
      %get3A_311 = vector.shape_cast %get3A_310 : vector<1x16xi32> to vector<16xi32>
      %gt3A_312 = arith.constant 0 : i32
      %gt3A_313 = vector.broadcast %gt3A_312 : i32 to vector<16xi32>
      %gt3A_314 = arith.cmpi sgt, %get3A_311, %gt3A_313 : vector<16xi32>
      %sub3A_315 = arith.subf %get3A_301, %get3A_306 : vector<16xf32>
      %abs3A_316 = math.absf %sub3A_315 : vector<16xf32>
      %jit3A_317 = arith.constant 0.000000e+00 : f32
      %broadcast_in_dim3A_318 = vector.broadcast %jit3A_317 : f32 to vector<16xf32>
      %select_n3A_319 = arith.select %gt3A_314, %abs3A_316, %broadcast_in_dim3A_318 : vector<16xi1>, vector<16xf32>
      %add3A_320 = arith.addf %add3A_286, %select_n3A_319 : vector<16xf32>
      %jit3A_321 = arith.constant 1.000000e+00 : f32
      %jit3A_322 = arith.constant 0.000000e+00 : f32
      %broadcast_in_dim3A_323 = vector.broadcast %jit3A_321 : f32 to vector<16xf32>
      %broadcast_in_dim3A_324 = vector.broadcast %jit3A_322 : f32 to vector<16xf32>
      %select_n3A_325 = arith.select %gt3A_314, %broadcast_in_dim3A_323, %broadcast_in_dim3A_324 : vector<16xi1>, vector<16xf32>
      %add3A_326 = arith.addf %add3A_292, %select_n3A_325 : vector<16xf32>
      %scan3A_327 = arith.constant 4 : i32
      %scan3A_328 = arith.addi %scan3A_196, %scan3A_327 : i32
      %mul3A_329 = arith.constant 16 : i32
      %mul3A_330 = arith.muli %scan3A_328, %mul3A_329 : i32
      %get3A_331 = arith.constant 0 : i32
      %get3A_332 = arith.index_cast %get3A_331 : i32 to index
      %get3A_333 = arith.index_cast %mul3A_330 : i32 to index
      %get3A_334 = tpu.vector_load %arg6[%get3A_332, %get3A_333] {strides = array<i32>} : memref<2x16384xf32, #tpu.memory_space<vmem>>, vector<1x16xf32>,
      %get3A_335 = vector.shape_cast %get3A_334 : vector<1x16xf32> to vector<16xf32>
      %get3A_336 = arith.constant 0 : i32
      %get3A_337 = arith.index_cast %get3A_336 : i32 to index
      %get3A_338 = arith.index_cast %mul3A_330 : i32 to index
      %get3A_339 = tpu.vector_load %arg7[%get3A_337, %get3A_338] {strides = array<i32>} : memref<2x16384xf32, #tpu.memory_space<vmem>>, vector<1x16xf32>,
      %get3A_340 = vector.shape_cast %get3A_339 : vector<1x16xf32> to vector<16xf32>
      %get3A_341 = arith.constant 0 : i32
      %get3A_342 = arith.index_cast %get3A_341 : i32 to index
      %get3A_343 = arith.index_cast %mul3A_330 : i32 to index
      %get3A_344 = tpu.vector_load %arg8[%get3A_342, %get3A_343] {strides = array<i32>} : memref<2x16384xi32, #tpu.memory_space<vmem>>, vector<1x16xi32>,
      %get3A_345 = vector.shape_cast %get3A_344 : vector<1x16xi32> to vector<16xi32>
      %gt3A_346 = arith.constant 0 : i32
      %gt3A_347 = vector.broadcast %gt3A_346 : i32 to vector<16xi32>
      %gt3A_348 = arith.cmpi sgt, %get3A_345, %gt3A_347 : vector<16xi32>
      %sub3A_349 = arith.subf %get3A_335, %get3A_340 : vector<16xf32>
      %abs3A_350 = math.absf %sub3A_349 : vector<16xf32>
      %jit3A_351 = arith.constant 0.000000e+00 : f32
      %broadcast_in_dim3A_352 = vector.broadcast %jit3A_351 : f32 to vector<16xf32>
      %select_n3A_353 = arith.select %gt3A_348, %abs3A_350, %broadcast_in_dim3A_352 : vector<16xi1>, vector<16xf32>
      %add3A_354 = arith.addf %add3A_320, %select_n3A_353 : vector<16xf32>
      %jit3A_355 = arith.constant 1.000000e+00 : f32
      %jit3A_356 = arith.constant 0.000000e+00 : f32
      %broadcast_in_dim3A_357 = vector.broadcast %jit3A_355 : f32 to vector<16xf32>
      %broadcast_in_dim3A_358 = vector.broadcast %jit3A_356 : f32 to vector<16xf32>
      %select_n3A_359 = arith.select %gt3A_348, %broadcast_in_dim3A_357, %broadcast_in_dim3A_358 : vector<16xi1>, vector<16xf32>
      %add3A_360 = arith.addf %add3A_326, %select_n3A_359 : vector<16xf32>
      %scan3A_361 = arith.constant 5 : i32
      %scan3A_362 = arith.addi %scan3A_196, %scan3A_361 : i32
      %mul3A_363 = arith.constant 16 : i32
      %mul3A_364 = arith.muli %scan3A_362, %mul3A_363 : i32
      %get3A_365 = arith.constant 0 : i32
      %get3A_366 = arith.index_cast %get3A_365 : i32 to index
      %get3A_367 = arith.index_cast %mul3A_364 : i32 to index
      %get3A_368 = tpu.vector_load %arg6[%get3A_366, %get3A_367] {strides = array<i32>} : memref<2x16384xf32, #tpu.memory_space<vmem>>, vector<1x16xf32>,
      %get3A_369 = vector.shape_cast %get3A_368 : vector<1x16xf32> to vector<16xf32>
      %get3A_370 = arith.constant 0 : i32
      %get3A_371 = arith.index_cast %get3A_370 : i32 to index
      %get3A_372 = arith.index_cast %mul3A_364 : i32 to index
      %get3A_373 = tpu.vector_load %arg7[%get3A_371, %get3A_372] {strides = array<i32>} : memref<2x16384xf32, #tpu.memory_space<vmem>>, vector<1x16xf32>,
      %get3A_374 = vector.shape_cast %get3A_373 : vector<1x16xf32> to vector<16xf32>
      %get3A_375 = arith.constant 0 : i32
      %get3A_376 = arith.index_cast %get3A_375 : i32 to index
      %get3A_377 = arith.index_cast %mul3A_364 : i32 to index
      %get3A_378 = tpu.vector_load %arg8[%get3A_376, %get3A_377] {strides = array<i32>} : memref<2x16384xi32, #tpu.memory_space<vmem>>, vector<1x16xi32>,
      %get3A_379 = vector.shape_cast %get3A_378 : vector<1x16xi32> to vector<16xi32>
      %gt3A_380 = arith.constant 0 : i32
      %gt3A_381 = vector.broadcast %gt3A_380 : i32 to vector<16xi32>
      %gt3A_382 = arith.cmpi sgt, %get3A_379, %gt3A_381 : vector<16xi32>
      %sub3A_383 = arith.subf %get3A_369, %get3A_374 : vector<16xf32>
      %abs3A_384 = math.absf %sub3A_383 : vector<16xf32>
      %jit3A_385 = arith.constant 0.000000e+00 : f32
      %broadcast_in_dim3A_386 = vector.broadcast %jit3A_385 : f32 to vector<16xf32>
      %select_n3A_387 = arith.select %gt3A_382, %abs3A_384, %broadcast_in_dim3A_386 : vector<16xi1>, vector<16xf32>
      %add3A_388 = arith.addf %add3A_354, %select_n3A_387 : vector<16xf32>
      %jit3A_389 = arith.constant 1.000000e+00 : f32
      %jit3A_390 = arith.constant 0.000000e+00 : f32
      %broadcast_in_dim3A_391 = vector.broadcast %jit3A_389 : f32 to vector<16xf32>
      %broadcast_in_dim3A_392 = vector.broadcast %jit3A_390 : f32 to vector<16xf32>
      %select_n3A_393 = arith.select %gt3A_382, %broadcast_in_dim3A_391, %broadcast_in_dim3A_392 : vector<16xi1>, vector<16xf32>
      %add3A_394 = arith.addf %add3A_360, %select_n3A_393 : vector<16xf32>
      %scan3A_395 = arith.constant 6 : i32
      %scan3A_396 = arith.addi %scan3A_196, %scan3A_395 : i32
      %mul3A_397 = arith.constant 16 : i32
      %mul3A_398 = arith.muli %scan3A_396, %mul3A_397 : i32
      %get3A_399 = arith.constant 0 : i32
      %get3A_400 = arith.index_cast %get3A_399 : i32 to index
      %get3A_401 = arith.index_cast %mul3A_398 : i32 to index
      %get3A_402 = tpu.vector_load %arg6[%get3A_400, %get3A_401] {strides = array<i32>} : memref<2x16384xf32, #tpu.memory_space<vmem>>, vector<1x16xf32>,
      %get3A_403 = vector.shape_cast %get3A_402 : vector<1x16xf32> to vector<16xf32>
      %get3A_404 = arith.constant 0 : i32
      %get3A_405 = arith.index_cast %get3A_404 : i32 to index
      %get3A_406 = arith.index_cast %mul3A_398 : i32 to index
      %get3A_407 = tpu.vector_load %arg7[%get3A_405, %get3A_406] {strides = array<i32>} : memref<2x16384xf32, #tpu.memory_space<vmem>>, vector<1x16xf32>,
      %get3A_408 = vector.shape_cast %get3A_407 : vector<1x16xf32> to vector<16xf32>
      %get3A_409 = arith.constant 0 : i32
      %get3A_410 = arith.index_cast %get3A_409 : i32 to index
      %get3A_411 = arith.index_cast %mul3A_398 : i32 to index
      %get3A_412 = tpu.vector_load %arg8[%get3A_410, %get3A_411] {strides = array<i32>} : memref<2x16384xi32, #tpu.memory_space<vmem>>, vector<1x16xi32>,
      %get3A_413 = vector.shape_cast %get3A_412 : vector<1x16xi32> to vector<16xi32>
      %gt3A_414 = arith.constant 0 : i32
      %gt3A_415 = vector.broadcast %gt3A_414 : i32 to vector<16xi32>
      %gt3A_416 = arith.cmpi sgt, %get3A_413, %gt3A_415 : vector<16xi32>
      %sub3A_417 = arith.subf %get3A_403, %get3A_408 : vector<16xf32>
      %abs3A_418 = math.absf %sub3A_417 : vector<16xf32>
      %jit3A_419 = arith.constant 0.000000e+00 : f32
      %broadcast_in_dim3A_420 = vector.broadcast %jit3A_419 : f32 to vector<16xf32>
      %select_n3A_421 = arith.select %gt3A_416, %abs3A_418, %broadcast_in_dim3A_420 : vector<16xi1>, vector<16xf32>
      %add3A_422 = arith.addf %add3A_388, %select_n3A_421 : vector<16xf32>
      %jit3A_423 = arith.constant 1.000000e+00 : f32
      %jit3A_424 = arith.constant 0.000000e+00 : f32
      %broadcast_in_dim3A_425 = vector.broadcast %jit3A_423 : f32 to vector<16xf32>
      %broadcast_in_dim3A_426 = vector.broadcast %jit3A_424 : f32 to vector<16xf32>
      %select_n3A_427 = arith.select %gt3A_416, %broadcast_in_dim3A_425, %broadcast_in_dim3A_426 : vector<16xi1>, vector<16xf32>
      %add3A_428 = arith.addf %add3A_394, %select_n3A_427 : vector<16xf32>
      %scan3A_429 = arith.constant 7 : i32
      %scan3A_430 = arith.addi %scan3A_196, %scan3A_429 : i32
      %mul3A_431 = arith.constant 16 : i32
      %mul3A_432 = arith.muli %scan3A_430, %mul3A_431 : i32
      %get3A_433 = arith.constant 0 : i32
      %get3A_434 = arith.index_cast %get3A_433 : i32 to index
      %get3A_435 = arith.index_cast %mul3A_432 : i32 to index
      %get3A_436 = tpu.vector_load %arg6[%get3A_434, %get3A_435] {strides = array<i32>} : memref<2x16384xf32, #tpu.memory_space<vmem>>, vector<1x16xf32>,
      %get3A_437 = vector.shape_cast %get3A_436 : vector<1x16xf32> to vector<16xf32>
      %get3A_438 = arith.constant 0 : i32
      %get3A_439 = arith.index_cast %get3A_438 : i32 to index
      %get3A_440 = arith.index_cast %mul3A_432 : i32 to index
      %get3A_441 = tpu.vector_load %arg7[%get3A_439, %get3A_440] {strides = array<i32>} : memref<2x16384xf32, #tpu.memory_space<vmem>>, vector<1x16xf32>,
      %get3A_442 = vector.shape_cast %get3A_441 : vector<1x16xf32> to vector<16xf32>
      %get3A_443 = arith.constant 0 : i32
      %get3A_444 = arith.index_cast %get3A_443 : i32 to index
      %get3A_445 = arith.index_cast %mul3A_432 : i32 to index
      %get3A_446 = tpu.vector_load %arg8[%get3A_444, %get3A_445] {strides = array<i32>} : memref<2x16384xi32, #tpu.memory_space<vmem>>, vector<1x16xi32>,
      %get3A_447 = vector.shape_cast %get3A_446 : vector<1x16xi32> to vector<16xi32>
      %gt3A_448 = arith.constant 0 : i32
      %gt3A_449 = vector.broadcast %gt3A_448 : i32 to vector<16xi32>
      %gt3A_450 = arith.cmpi sgt, %get3A_447, %gt3A_449 : vector<16xi32>
      %sub3A_451 = arith.subf %get3A_437, %get3A_442 : vector<16xf32>
      %abs3A_452 = math.absf %sub3A_451 : vector<16xf32>
      %jit3A_453 = arith.constant 0.000000e+00 : f32
      %broadcast_in_dim3A_454 = vector.broadcast %jit3A_453 : f32 to vector<16xf32>
      %select_n3A_455 = arith.select %gt3A_450, %abs3A_452, %broadcast_in_dim3A_454 : vector<16xi1>, vector<16xf32>
      %add3A_456 = arith.addf %add3A_422, %select_n3A_455 : vector<16xf32>
      %jit3A_457 = arith.constant 1.000000e+00 : f32
      %jit3A_458 = arith.constant 0.000000e+00 : f32
      %broadcast_in_dim3A_459 = vector.broadcast %jit3A_457 : f32 to vector<16xf32>
      %broadcast_in_dim3A_460 = vector.broadcast %jit3A_458 : f32 to vector<16xf32>
      %select_n3A_461 = arith.select %gt3A_450, %broadcast_in_dim3A_459, %broadcast_in_dim3A_460 : vector<16xi1>, vector<16xf32>
      %add3A_462 = arith.addf %add3A_428, %select_n3A_461 : vector<16xf32>
      scf.yield %add3A_456, %add3A_462 : vector<16xf32>, vector<16xf32>
    }
    %scan3A_188 = arith.constant 1024 : i32
    %swap3A = arith.constant 0 : index
    %swap3A_189 = tpu.vector_load %arg9[%swap3A] {strides = array<i32>} : memref<32xf32, #tpu.memory_space<vmem>>, vector<16xf32>,
    %swap3A_190 = vector.shape_cast %swap3A_189 : vector<16xf32> to vector<16xf32>
    %swap3A_191 = vector.shape_cast %scan3A_187#0 : vector<16xf32> to vector<16xf32>
    tpu.vector_store %arg9[%swap3A], %swap3A_191 {strides = array<i32>} : memref<32xf32, #tpu.memory_space<vmem>>, vector<16xf32>,
    %swap3A_192 = arith.constant 16 : index
    %swap3A_193 = tpu.vector_load %arg9[%swap3A_192] {strides = array<i32>} : memref<32xf32, #tpu.memory_space<vmem>>, vector<16xf32>,
    %swap3A_194 = vector.shape_cast %swap3A_193 : vector<16xf32> to vector<16xf32>
    %swap3A_195 = vector.shape_cast %scan3A_187#1 : vector<16xf32> to vector<16xf32>
    tpu.vector_store %arg9[%swap3A_192], %swap3A_195 {strides = array<i32>} : memref<32xf32, #tpu.memory_space<vmem>>, vector<16xf32>,
    "tpu.region"() ({
      %run_scoped3A = tpu.sem_alloc : memref<!tpu.dma_semaphore, #tpu.memory_space<semaphore_mem>>
      %dma_start3A_196 = arith.constant 0 : i32
      %dma_start3A_197 = tpu.memref_slice %arg5[%add3A, %dma_start3A_196] : memref<32x32xf32, #tpu.memory_space<hbm>> -> memref<1x32xf32, #tpu.memory_space<hbm>>
      %dma_start3A_198 = tpu.memref_squeeze %dma_start3A_197 : memref<1x32xf32, #tpu.memory_space<hbm>> -> memref<32xf32, #tpu.memory_space<hbm>>
      %dma_start3A_199 = arith.constant 0 : i32
      %dma_start3A_200 = tpu.memref_slice %arg5[%add3A, %dma_start3A_199] : memref<32x32xf32, #tpu.memory_space<hbm>> -> memref<1x32xf32, #tpu.memory_space<hbm>>
      %dma_start3A_201 = tpu.memref_squeeze %dma_start3A_200 : memref<1x32xf32, #tpu.memory_space<hbm>> -> memref<32xf32, #tpu.memory_space<hbm>>
      tpu.enqueue_dma source(%arg9 : memref<32xf32, #tpu.memory_space<vmem>>) target(%dma_start3A_201 : memref<32xf32, #tpu.memory_space<hbm>>) target_semaphore(%run_scoped3A : memref<!tpu.dma_semaphore, #tpu.memory_space<semaphore_mem>>)
      %dma_wait3A_202 = arith.constant 0 : i32
      %dma_wait3A_203 = tpu.memref_slice %arg5[%add3A, %dma_wait3A_202] : memref<32x32xf32, #tpu.memory_space<hbm>> -> memref<1x32xf32, #tpu.memory_space<hbm>>
      %dma_wait3A_204 = tpu.memref_squeeze %dma_wait3A_203 : memref<1x32xf32, #tpu.memory_space<hbm>> -> memref<32xf32, #tpu.memory_space<hbm>>
      %dma_wait3A_205 = arith.constant 0 : i32
      %dma_wait3A_206 = tpu.memref_slice %arg5[%add3A, %dma_wait3A_205] : memref<32x32xf32, #tpu.memory_space<hbm>> -> memref<1x32xf32, #tpu.memory_space<hbm>>
      %dma_wait3A_207 = tpu.memref_squeeze %dma_wait3A_206 : memref<1x32xf32, #tpu.memory_space<hbm>> -> memref<32xf32, #tpu.memory_space<hbm>>
      tpu.wait_dma2 semaphore(%run_scoped3A : memref<!tpu.dma_semaphore, #tpu.memory_space<semaphore_mem>>) src(%arg9 : memref<32xf32, #tpu.memory_space<vmem>>) dst(%dma_wait3A_207 : memref<32xf32, #tpu.memory_space<hbm>>)
      tpu.yield
    }) : () -> ()
    return
  }
}

module attributes {stable_mosaic.version = 14 : i64} {
  func.func @_tc_body(%arg0: i32, %arg1: memref<2048x128xf32, #tpu.memory_space<vmem>>, %arg2: memref<2048x128xf32, #tpu.memory_space<vmem>>, %arg3: memref<2048x128xi32, #tpu.memory_space<vmem>>, %arg4: memref<1xf32, #tpu.memory_space<smem>>, %arg5: memref<1xf32, #tpu.memory_space<smem>>, %arg6: memref<2x128xf32, #tpu.memory_space<vmem>>) attributes {dimension_semantics = [#tpu.dimension_semantics<arbitrary>], iteration_bounds = array<i64: 26>, scalar_prefetch = 0 : i64, scratch_operands = 1 : i64, tpu.core_type = #tpu.core_type<tc>, window_params = [{transform_indices = @transform_0, window_bounds = array<i64: 2048, 128>}, {transform_indices = @transform_1, window_bounds = array<i64: 2048, 128>}, {transform_indices = @transform_2, window_bounds = array<i64: 2048, 128>}, {transform_indices = @transform_3, window_bounds = array<i64: 1>}, {transform_indices = @transform_4, window_bounds = array<i64: 1>}]} {
    %eq3A = arith.constant 0 : i32
    %eq3A_0 = arith.cmpi eq, %arg0, %eq3A : i32
    %convert_element_type3A = arith.extui %eq3A_0 : i1 to i32
    %cond3A = arith.constant 0 : i32
    %cond3A_1 = arith.cmpi ne, %convert_element_type3A, %cond3A : i32
    scf.if %cond3A_1 {
      %broadcast_in_dim3A_39 = arith.constant 0.000000e+00 : f32
      %broadcast_in_dim3A_40 = vector.broadcast %broadcast_in_dim3A_39 : f32 to vector<2x128xf32>
      %swap3A_41 = arith.constant 0 : index
      %swap3A_42 = arith.constant 0 : index
      %swap3A_43 = vector.load %arg6[%swap3A_41, %swap3A_42] : memref<2x128xf32, #tpu.memory_space<vmem>>, vector<2x128xf32>
      tpu.vector_store %arg6[%swap3A_41, %swap3A_42], %broadcast_in_dim3A_40 {strides = array<i32>} : memref<2x128xf32, #tpu.memory_space<vmem>>, vector<2x128xf32>,
    } else {
    }
    %get3A = arith.constant 0 : index
    %get3A_2 = arith.constant 0 : index
    %get3A_3 = vector.load %arg3[%get3A, %get3A_2] : memref<2048x128xi32, #tpu.memory_space<vmem>>, vector<2048x128xi32>
    %gt3A = arith.constant 0 : i32
    %gt3A_4 = vector.broadcast %gt3A : i32 to vector<2048x128xi32>
    %gt3A_5 = arith.cmpi sgt, %get3A_3, %gt3A_4 : vector<2048x128xi32>
    %get3A_6 = arith.constant 0 : index
    %get3A_7 = arith.constant 0 : index
    %get3A_8 = vector.load %arg1[%get3A_6, %get3A_7] : memref<2048x128xf32, #tpu.memory_space<vmem>>, vector<2048x128xf32>
    %get3A_9 = arith.constant 0 : index
    %get3A_10 = arith.constant 0 : index
    %get3A_11 = vector.load %arg2[%get3A_9, %get3A_10] : memref<2048x128xf32, #tpu.memory_space<vmem>>, vector<2048x128xf32>
    %sub3A = arith.subf %get3A_8, %get3A_11 : vector<2048x128xf32>
    %abs3A = math.absf %sub3A : vector<2048x128xf32>
    %jit3A = arith.constant 0.000000e+00 : f32
    %broadcast_in_dim3A = vector.broadcast %jit3A : f32 to vector<2048x128xf32>
    %select_n3A = arith.select %gt3A_5, %abs3A, %broadcast_in_dim3A : vector<2048x128xi1>, vector<2048x128xf32>
    %get3A_12 = arith.constant 0 : index
    %get3A_13 = arith.constant 0 : index
    %get3A_14 = vector.load %arg6[%get3A_12, %get3A_13] : memref<2x128xf32, #tpu.memory_space<vmem>>, vector<1x128xf32>
    %reduce_sum3A = arith.constant dense<0.000000e+00> : vector<128xf32>
    %reduce_sum3A_15 = vector.multi_reduction <add>, %select_n3A, %reduce_sum3A [0] : vector<2048x128xf32> to vector<128xf32>
    %broadcast_in_dim3A_16 = vector.shape_cast %reduce_sum3A_15 : vector<128xf32> to vector<1x128xf32>
    %add3A = arith.addf %get3A_14, %broadcast_in_dim3A_16 : vector<1x128xf32>
    %swap3A = arith.constant 0 : index
    %swap3A_17 = arith.constant 0 : index
    %swap3A_18 = vector.load %arg6[%swap3A, %swap3A_17] : memref<2x128xf32, #tpu.memory_space<vmem>>, vector<1x128xf32>
    tpu.vector_store %arg6[%swap3A, %swap3A_17], %add3A {strides = array<i32>} : memref<2x128xf32, #tpu.memory_space<vmem>>, vector<1x128xf32>,
    %get3A_19 = arith.constant 1 : index
    %get3A_20 = arith.constant 0 : index
    %get3A_21 = vector.load %arg6[%get3A_19, %get3A_20] : memref<2x128xf32, #tpu.memory_space<vmem>>, vector<1x128xf32>
    %jit3A_22 = arith.constant 1.000000e+00 : f32
    %jit3A_23 = arith.constant 0.000000e+00 : f32
    %broadcast_in_dim3A_24 = vector.broadcast %jit3A_22 : f32 to vector<2048x128xf32>
    %broadcast_in_dim3A_25 = vector.broadcast %jit3A_23 : f32 to vector<2048x128xf32>
    %select_n3A_26 = arith.select %gt3A_5, %broadcast_in_dim3A_24, %broadcast_in_dim3A_25 : vector<2048x128xi1>, vector<2048x128xf32>
    %reduce_sum3A_27 = arith.constant dense<0.000000e+00> : vector<128xf32>
    %reduce_sum3A_28 = vector.multi_reduction <add>, %select_n3A_26, %reduce_sum3A_27 [0] : vector<2048x128xf32> to vector<128xf32>
    %broadcast_in_dim3A_29 = vector.shape_cast %reduce_sum3A_28 : vector<128xf32> to vector<1x128xf32>
    %add3A_30 = arith.addf %get3A_21, %broadcast_in_dim3A_29 : vector<1x128xf32>
    %swap3A_31 = arith.constant 1 : index
    %swap3A_32 = arith.constant 0 : index
    %swap3A_33 = vector.load %arg6[%swap3A_31, %swap3A_32] : memref<2x128xf32, #tpu.memory_space<vmem>>, vector<1x128xf32>
    tpu.vector_store %arg6[%swap3A_31, %swap3A_32], %add3A_30 {strides = array<i32>} : memref<2x128xf32, #tpu.memory_space<vmem>>, vector<1x128xf32>,
    %eq3A_34 = arith.constant 25 : i32
    %eq3A_35 = arith.cmpi eq, %arg0, %eq3A_34 : i32
    %convert_element_type3A_36 = arith.extui %eq3A_35 : i1 to i32
    %cond3A_37 = arith.constant 0 : i32
    %cond3A_38 = arith.cmpi ne, %convert_element_type3A_36, %cond3A_37 : i32
    scf.if %cond3A_38 {
      %get3A_39 = arith.constant 0 : index
      %get3A_40 = arith.constant 0 : index
      %get3A_41 = vector.load %arg6[%get3A_39, %get3A_40] : memref<2x128xf32, #tpu.memory_space<vmem>>, vector<1x128xf32>
      %reduce_sum3A_42 = vector.shape_cast %get3A_41 : vector<1x128xf32> to vector<1x1x128xf32>
      %reduce_sum3A_43 = arith.constant dense<0.000000e+00> : vector<1xf32>
      %reduce_sum3A_44 = vector.multi_reduction <add>, %reduce_sum3A_42, %reduce_sum3A_43 [1, 2] : vector<1x1x128xf32> to vector<1xf32>
      %reduce_sum3A_45 = vector.shape_cast %reduce_sum3A_44 : vector<1xf32> to vector<1x1x1xf32>
      %reduce_sum3A_46 = vector.extract %reduce_sum3A_45[0, 0, 0] : f32 from vector<1x1x1xf32>
      %swap3A_47 = arith.constant 0 : index
      %swap3A_48 = memref.load %arg4[%swap3A_47] : memref<1xf32, #tpu.memory_space<smem>>
      memref.store %reduce_sum3A_46, %arg4[%swap3A_47] : memref<1xf32, #tpu.memory_space<smem>>
      %get3A_49 = arith.constant 1 : index
      %get3A_50 = arith.constant 0 : index
      %get3A_51 = vector.load %arg6[%get3A_49, %get3A_50] : memref<2x128xf32, #tpu.memory_space<vmem>>, vector<1x128xf32>
      %reduce_sum3A_52 = vector.shape_cast %get3A_51 : vector<1x128xf32> to vector<1x1x128xf32>
      %reduce_sum3A_53 = arith.constant dense<0.000000e+00> : vector<1xf32>
      %reduce_sum3A_54 = vector.multi_reduction <add>, %reduce_sum3A_52, %reduce_sum3A_53 [1, 2] : vector<1x1x128xf32> to vector<1xf32>
      %reduce_sum3A_55 = vector.shape_cast %reduce_sum3A_54 : vector<1xf32> to vector<1x1x1xf32>
      %reduce_sum3A_56 = vector.extract %reduce_sum3A_55[0, 0, 0] : f32 from vector<1x1x1xf32>
      %swap3A_57 = arith.constant 0 : index
      %swap3A_58 = memref.load %arg5[%swap3A_57] : memref<1xf32, #tpu.memory_space<smem>>
      memref.store %reduce_sum3A_56, %arg5[%swap3A_57] : memref<1xf32, #tpu.memory_space<smem>>
    } else {
    }
    return
  }
  func.func @transform_0(%arg0: i32) -> (i32, i32) {
    %add3A = arith.constant 6 : i32
    %add3A_0 = arith.addi %arg0, %add3A : i32
    %c0_i32 = arith.constant 0 : i32
    %c0_i32_1 = arith.constant 0 : i32
    return %add3A_0, %c0_i32 : i32, i32
  }
  func.func @transform_1(%arg0: i32) -> (i32, i32) {
    %add3A = arith.constant 6 : i32
    %add3A_0 = arith.addi %arg0, %add3A : i32
    %c0_i32 = arith.constant 0 : i32
    %c0_i32_1 = arith.constant 0 : i32
    return %add3A_0, %c0_i32 : i32, i32
  }
  func.func @transform_2(%arg0: i32) -> (i32, i32) {
    %add3A = arith.constant 6 : i32
    %add3A_0 = arith.addi %arg0, %add3A : i32
    %c0_i32 = arith.constant 0 : i32
    %c0_i32_1 = arith.constant 0 : i32
    return %add3A_0, %c0_i32 : i32, i32
  }
  func.func @transform_3(%arg0: i32) -> i32 {
    %c0_i32 = arith.constant 0 : i32
    %c0_i32_0 = arith.constant 0 : i32
    return %c0_i32 : i32
  }
  func.func @transform_4(%arg0: i32) -> i32 {
    %c0_i32 = arith.constant 0 : i32
    %c0_i32_0 = arith.constant 0 : i32
    return %c0_i32 : i32
  }
}

</mosaic_0001>

<sc_bundles>
// kernel: kernel.4.cloned.1.call-start
scs
__scs_entry_jumppad:
0x0: {  	(pc) =	sbr.rel $0x88, $3  }
0x1: {  	(tag) =	ssettag $0x0;
	lr =	simm.s32 $0x1  }
0x2: {  	[smem:$0x3F9E] =	sst lr;
	_ =	strace $0xD0000000  }
0x3: {  	_ = 	snop  }
0x4: {  	_ = 	snop  }
0x5: {  	_ = 	snop  }
0x6: {  	_ = 	snop  }
0x7: {  	_ = 	snop  }
__scs_overlays_trampoline_lowered:
0x8: {  	[smem:$0x3FAD] =	sst s0  }
0x9: {  	[smem:$0x3FAE] =	sst s1  }
0xa: {  	[smem:$0x3FAF] =	sst s2  }
0xb: {  	[smem:$0x3FB0] =	sst s3  }
0xc: {  	[smem:$0x3FB1] =	sst s4  }
0xd: {  	[smem:$0x3FB2] =	sst s5  }
0xe: {  	[smem:$0x3FB3] =	sst s6  }
0xf: {  	[smem:$0x3FB4] =	sst s7  }
0x10: {  	[smem:$0x3FB5] =	sst s8  }
0x11: {  	[smem:$0x3FB6] =	sst s9;
	s0 =	simm.s32 @!p0 $0x0  }
0x12: {  	s1 =	sld [smem:$0x3F9C];
	s0 =	simm.s32 @p0 $0x1  }
0x13: {  	[smem:$0x3FB7] =	sst s0;
	s0 =	simm.s32 @!p1 $0x0  }
0x14: {  	s2 =	sld [smem:$0x3F9B];
	s0 =	simm.s32 @p1 $0x1  }
0x15: {  	[smem:$0x3FB8] =	sst s0;
	s0 =	simm.s32 @!p2 $0x0  }
0x16: {  	s3 =	sld [smem:$0x3FDB];
	s0 =	simm.s32 @p2 $0x1  }
0x17: {  	s4 =	simm.s32 $0x1BF5;
	[smem:$0x3FBA] =	sst s0  }
0x18: {  	s0 =	sld [smem:$0x3F9D];
	_ =	swait.ge [sflag:s4], $0x0  }
0x19: {  	s7 =	sld [smem:$0x3F9E]  }
0x1a: {  	s8 =	sadd.s32 $0xFFFFE003, lr  }
0x1b: {  	s9 =	sadd.s32 $0xFFFFFEF7, lr;
	s5 =	simm.s32 $0xFFFFFFFF;
	p2 =	slt.u32 s8, $0xFFFFF086  }
0x1c: {  	p1 =	slt.u32 s9, $0xF7A;
	s5 =	simm.s32 @!p2 $0x0  }
0x1d: {  	s5 =	simm.s32 @p1 $0x1;
	p0 =	seq.s32 s7, s2  }
0x1e: {  	s7 =	smul.u32 @!p0 $0xF7A, s2;
	p2 =	seq.s32 @!p0 s5, $0x0  }
0x1f: {  	s9 =	smul.u32 $0xF7A, s1;
	s8 =	simm.s32 @!p0 $0x1BF5;
	p2 =	por !p2, p0  }
0x20: {  	[sflag:s8] =	ssyncset.s32 @!p0 $0xFFFFF086;
	s6 =	sadd.s32 @!p0 s3, s7;
	s7 =	simm.s32 @!p0 $0x108  }
0x21: {  	s3 =	sadd.s32 s3, s9;
	s6 =	sadd.s32 @!p0 $0x88, s6;
	s7 =	simm.s32 @p2 $0x1082  }
0x22: {  	[simem:s7], [sflag:s8] =	dma.local @!p0 [hbm:s6], $0xF7A  }
0x23: {  	s9 =	sor.u32 $0xD0000000, s2;
	s6 =	simm.s32 $0x108;
	_ =	swait.ge @!p0 [sflag:s8], $0x0  }
0x24: {  	s3 =	sadd.s32 $0x88, s3;
	s6 =	simm.s32 @!p1 $0x1082;
	[sflag:s4] =	ssyncset.s32 $0xFFFFF086  }
0x25: {  	[simem:s6], [sflag:s4] =	dma.local [hbm:s3], $0xF7A  }
0x26: {  	[smem:$0x3F9E] =	sst s1;
	(tag) =	ssettag s2;
	_ =	strace s9  }
0x27: {  	s1 =	sld [smem:$0x3FAE]  }
0x28: {  	s2 =	sld [smem:$0x3FAF]  }
0x29: {  	s4 =	sld [smem:$0x3FB1]  }
0x2a: {  	p0 =	seq.s32 s5, $0x0;
	s5 =	sld [smem:$0x3FB2]  }
0x2b: {  	s6 =	sld [smem:$0x3FB3]  }
0x2c: {  	s7 =	sld [smem:$0x3FB4]  }
0x2d: {  	s3 =	simm.s32 $0x108;
	s8 =	sld [smem:$0x3FB5]  }
0x2e: {  	s3 =	simm.s32 @!p0 $0x1082;
	s9 =	sld [smem:$0x3FB6]  }
0x2f: {  	lr =	sadd.s32 s0, s3;
	s0 =	sld [smem:$0x3FAD]  }
0x30: {  	s3 =	sld [smem:$0x3FB0]  }
0x31: {  	[smem:$0x3FB9] =	sst s10  }
0x32: {  	s10 =	sld [smem:$0x3FB7];
	_ =	sdelay $0x3  }
0x33: {  	p0 =	seq.s32 s10, $0x1;
	s10 =	sld [smem:$0x3FB9];
	_ =	sdelay $0x3  }
0x34: {  	[smem:$0x3FB9] =	sst s10  }
0x35: {  	s10 =	sld [smem:$0x3FB8];
	_ =	sdelay $0x3  }
0x36: {  	p1 =	seq.s32 s10, $0x1;
	s10 =	sld [smem:$0x3FB9];
	_ =	sdelay $0x3  }
0x37: {  	[smem:$0x3FB9] =	sst s10  }
0x38: {  	s10 =	sld [smem:$0x3FBA]  }
0x39: {  	_ = 	snop;
	(pc) =	sbr.ind lr, $3  }
0x3a: {  	_ = 	snop  }
0x3b: {  	_ = 	snop  }
0x3c: {  	p2 =	seq.s32 s10, $0x1;
	s10 =	sld [smem:$0x3FB9]  }
0x3d: {  	_ =	shalt  }
0x3e: {  	_ =	shalt  }
0x3f: {  	_ =	shalt  }
0x40: {  	_ =	shalt  }
0x41: {  	_ =	shalt  }
0x42: {  	_ =	shalt  }
0x43: {  	_ =	shalt  }
0x44: {  	_ =	shalt  }
0x45: {  	_ =	shalt  }
0x46: {  	_ =	shalt  }
0x47: {  	_ =	shalt  }
0x48: {  	_ =	shalt  }
0x49: {  	_ =	shalt  }
0x4a: {  	_ =	shalt  }
0x4b: {  	_ =	shalt  }
0x4c: {  	_ =	shalt  }
0x4d: {  	_ =	shalt  }
0x4e: {  	_ =	shalt  }
0x4f: {  	_ =	shalt  }
0x50: {  	_ =	shalt  }
0x51: {  	_ =	shalt  }
0x52: {  	_ =	shalt  }
0x53: {  	_ =	shalt  }
0x54: {  	_ =	shalt  }
0x55: {  	_ =	shalt  }
0x56: {  	_ =	shalt  }
0x57: {  	_ =	shalt  }
0x58: {  	_ =	shalt  }
0x59: {  	_ =	shalt  }
0x5a: {  	_ =	shalt  }
0x5b: {  	_ =	shalt  }
0x5c: {  	_ =	shalt  }
0x5d: {  	_ =	shalt  }
0x5e: {  	_ =	shalt  }
0x5f: {  	_ =	shalt  }
0x60: {  	_ =	shalt  }
0x61: {  	_ =	shalt  }
0x62: {  	_ =	shalt  }
0x63: {  	_ =	shalt  }
0x64: {  	_ =	shalt  }
0x65: {  	_ =	shalt  }
0x66: {  	_ =	shalt  }
0x67: {  	_ =	shalt  }
0x68: {  	_ =	shalt  }
0x69: {  	_ =	shalt  }
0x6a: {  	_ =	shalt  }
0x6b: {  	_ =	shalt  }
0x6c: {  	_ =	shalt  }
0x6d: {  	_ =	shalt  }
0x6e: {  	_ =	shalt  }
0x6f: {  	_ =	shalt  }
0x70: {  	_ =	shalt  }
0x71: {  	_ =	shalt  }
0x72: {  	_ =	shalt  }
0x73: {  	_ =	shalt  }
0x74: {  	_ =	shalt  }
0x75: {  	_ =	shalt  }
0x76: {  	_ =	shalt  }
0x77: {  	_ =	shalt  }
0x78: {  	_ =	shalt  }
0x79: {  	_ =	shalt  }
0x7a: {  	_ =	shalt  }
0x7b: {  	_ =	shalt  }
0x7c: {  	_ =	shalt  }
0x7d: {  	_ =	shalt  }
0x7e: {  	_ =	shalt  }
0x7f: {  	_ =	shalt  }
0x80: {  	_ =	shalt  }
0x81: {  	_ =	shalt  }
0x82: {  	_ =	shalt  }
0x83: {  	_ =	shalt  }
0x84: {  	_ =	shalt  }
0x85: {  	_ =	shalt  }
0x86: {  	_ =	shalt  }
0x87: {  	_ =	shalt  }
.Lfunc_end0:
.L_simem_size_0:
called_computation_lowered:
.L_overlay_start_0:
0x88: {  	s2 =	sld [smem:$0x3FD9]  }
0x89: {  	s3 =	sld [smem:$0x3FFE];
	_ =	sdelay $0x1  }
0x8a: {  	s1 =	srdreg.scid  }
0x8b: {  	s0 =	sand.u32 $0x1, s1  }
0x8c: {  	s17 =	sshll.u32 s0, $0xA;
	s2 =	sadd.s32 s3, s2  }
0x8d: {  	s2 =	sadd.s32 s2, s17  }
0x8e: {  	[smem:$0x3FC5] =	sst s2  }
0x8f: {  	_ = 	snop  }
0x90: {  	s2 =	sld [smem:$0x3FC9]  }
0x91: {  	s18 =	sld [smem:$0x3FC8]  }
0x92: {  	s4 =	sld [smem:$0x3FC7];
	(tm) =	ssettm $0x1  }
0x93: {  	s5 =	sld [smem:$0x3FFB];
	_ =	sdelay $0x3  }
0x94: {  	_ =	strace s5  }
0x95: {  	s5 =	sld [smem:$0x3FFC];
	_ =	sdelay $0x3  }
0x96: {  	_ =	strace s5  }
0x97: {  	s5 =	sld [smem:$0x3FFD];
	_ =	sdelay $0x3  }
0x98: {  	_ =	strace s5  }
0x99: {  	_ =	strace $0x8FFFFFFF  }
0x9a: {  	s19 =	sld [smem:$0x3FDB];
	_ =	sdelay $0x1  }
0x9b: {  	s6 =	simm.s32 $_scs_section_size  }
0x9c: {  	s7 =	simm.s32 $_size__tile_overlayer_lowered;
	s8 =	simm.s32 $_tile_overlayer_lowered  }
0x9d: {  	s22 =	simm.s32 $0x1BFF;
	s21 =	sshll.u32 s8, $0x1;
	s5 =	sadd.s32 s6, s19  }
0x9e: {  	s9 =	simm.s32 $0x0;
	s20 =	sshll.u32 s7, $0x1;
	s7 =	sadd.s32 s21, s5  }
0x9f: {  	[timem:s9], [sflag:s22] =	dma.local [hbm:s7], s20  }
0xa0: {  	_ =	swait.ge [sflag:s22], s20  }
0xa1: {  	s6 =	ssub.s32 $0x0, s20;
	[sflag:s22] =	ssyncset.done $0x0  }
0xa2: {  	[sflag:s22] =	ssyncadd.s32 s6;
	_ =	sdelay $0x1  }
0xa3: {  	s23 =	simm.s32 $0x1B8B  }
0xa4: {  	_ =	swait.ge [sflag:s23], $0x1  }
0xa5: {  	[sflag:s23] =	ssyncset.done $0x0  }
0xa6: {  	s25 =	simm.s32 $0x1B8E;
	s24 =	sld [smem:$0x3FFE];
	[sflag:s23] =	ssyncadd.s32 $0xFFFFFFFF  }
0xa7: {  	s26 =	simm.s32 $execute0_lowered;
	[smem:$0x3FD2] =	sst s25  }
0xa8: {  	s7 =	sshll.u32 s26, $0x1;
	_ =	strace $0x80000046;
	[dreg:$0x1] =	wrdreg $0xFFFFFFFF  }
0xa9: {  	s28 =	simm.s32 $_size_execute0_lowered;
	s5 =	sadd.s32 s5, s7;
	[dreg:$0x0] =	wrdreg $0x0  }
0xaa: {  	s7 =	sshll.u32 s28, $0x1;
	[dreg:$0x2] =	wrdreg s5  }
0xab: {  	[dreg:$0x3] =	wrdreg s7  }
0xac: {  	[dreg:$0x4] =	wrdreg $0xC0  }
0xad: {  	_ =	task [dreg:s9], $0x5FFFF  }
0xae: {  	[dreg:$0x1] =	wrdreg $0xFFFFFFFF  }
0xaf: {  	[dreg:$0x0] =	wrdreg $0x60  }
0xb0: {  	[dreg:$0x2] =	wrdreg s2  }
0xb1: {  	[dreg:$0x3] =	wrdreg s18  }
0xb2: {  	[dreg:$0x4] =	wrdreg s4  }
0xb3: {  	[dreg:$0x5] =	wrdreg s24  }
0xb4: {  	[dreg:$0x6] =	wrdreg $0x9  }
0xb5: {  	_ =	task.clear_ibuf [dreg:s9], $0x7FFFF;
	_ =	strace $0x90000046  }
0xb6: {  	s29 =	simm.s32 $0x9;
	_ =	strace $0x80000048  }
0xb7: {  	_ =	swait.ge [sflag:s29], $0x1  }
0xb8: {  	[sflag:s29] =	ssyncadd.s32 $0xFFFFFFFF  }
0xb9: {  	_ =	strace $0x90000048  }
0xba: {  	_ =	sfence  }
0xbb: {  	s30 =	sld [smem:$0x0];
	_ =	sdelay $0x2  }
0xbc: {  	s31 =	sshll.u32 s1, $0xD;
	s1 =	sshrl.u32 s1, $0x2  }
0xbd: {  	s3 =	sand.u32 $0x4000, s31;
	s1 =	sadd.s32 s1, s30  }
0xbe: {  	s0 =	sor.u32 s3, s0;
	s1 =	sshll.u32 s1, $0x11  }
0xbf: {  	s0 =	sor.u32 s1, s0  }
0xc0: {  	s0 =	sadd.s32 $0x8F2B, s0  }
0xc1: {  	[sflag:s0] =	ssyncadd.remote.s32 $0x1  }
0xc2: {  	_ =	sfence.sel $0xFFFF  }
0xc3: {  	[dreg:$0x0] =	wrdreg $0xFFFFFFFF;
	(pc) =	sbr.abs _section_cstart, $3  }
0xc4: {  	[dreg:$0x1] =	wrdreg $0xFFFFFFFF  }
0xc5: {  	_ =	task.clear_ibuf [dreg:s9], $0x2FFFF;
	_ =	strace $0x9FFFFFFF  }
0xc6: {  	(tm) =	ssettm $0x7FFFFFFF  }
0xc7: {  	_ =	shalt  }
tec
execute0_lowered:
.L_overlay_start_1:
0x0: {  	(tag) =	ssettag $0x1  }
0x1: {  	s9 =	rddreg [dreg:$0x0]  }
0x2: {  	s10 =	rddreg [dreg:$0x1]  }
0x3: {  	s1 =	srdreg.scid;
	s11 =	rddreg [dreg:$0x2]  }
0x4: {  	s0 =	stileid.u32;
	s13 =	rddreg [dreg:$0x3];
	s2 =	simm.s32 $0x0  }
0x5: {  	s17 =	simm.s32 $0x3;
	s3 =	sand.u32 $0x1, s1;
	s31 =	sshll.u32 s0, $0x1  }
0x6: {  	s18 =	simm.s32 $0x0;
	s1 =	rddreg [dreg:$0x4];
	s12 =	sor.u32 s3, s31  }
0x7: {  	[smem:$0x7FF] =	sst s2;
	s3 =	ssub.s32 $0x2, s3;
	s4 =	smul.u32 $0xC000, s12  }
0x8: {  	_ =	strace $0x80000047;
	s5 =	sshrl.u32 s3, $0x1;
	s12 =	sshll.u32 s12, $0x4  }
0x9: {  	s14 =	ssub.s32 s3, s5;
	s12 =	sadd.s32 s13, s12;
	s8 =	sshrl.u32 s4, $0x3  }
0xa: {  	s13 =	smax.u32 s14, $0x1;
	s14 =	simm.s32 $0x1;
	s3 =	sadd.s32 s9, s8  }
0xb: {  	s4 =	sadd.s32 s10, s8;
	s5 =	sadd.s32 s11, s8;
	s15 =	sadd.s32 $0x800, s8  }
0xc: {  	s16 =	sadd.s32 $0x1000, s8;
	s6 =	sadd.s32 s9, s15;
	s7 =	sadd.s32 s10, s15  }
0xd: {  	s8 =	sadd.s32 s11, s15;
	s9 =	sadd.s32 s9, s16;
	s10 =	sadd.s32 s10, s16  }
0xe: {  	v0 =	vimm.f32 $0.0e+00;
	s11 =	sadd.s32 s11, s16;
	s15 =	simm.s32 $0x2;
	s16 =	simm.s32 $0x18000  }
.LBB2_1:
0xf: {  	s19 =	simm.s32 $0x10  }
0x10: {  	s22 =	sadd.s32 $0x0, s3;
	s20 =	simm.s32 $0x100;
	s21 =	simm.s32 $0x0  }
.LBB2_2:
0x11: {  	[tilespmem:s21], [sflag:$0x1] =	stream.linear.gather [hbm4b:s22+s2], $0x80, $0x38;
	[tilespmem:$0x18080] =	vst v63  }
0x12: {  	s22 =	smov.u32 s19;
	s21 =	smov.u32 s20;
	p0 =	sne.s32 s19, $0x7F0  }
.Ltmp0:
0x13: {  	s19 =	sadd.s32 $0x10, s19;
	(pc) =	sbr.rel @p0 .LBB2_2-.Ltmp0, $2  }
0x14: {  	_ =	sdelay $0x2  }
0x15: {  	s20 =	sadd.s32 $0x100, s20;
	s22 =	sadd.s32 s22, s3  }
0x16: {  	[tilespmem:s21], [sflag:$0x1] =	stream.linear.gather [hbm4b:s22+s2], $0x80, $0x38;
	[tilespmem:$0x18080] =	vst v63  }
0x17: {  	s19 =	simm.s32 $0x8000  }
0x18: {  	s20 =	simm.s32 $0x10;
	s22 =	sadd.s32 $0x0, s4;
	s21 =	simm.s32 $0x8100  }
.LBB2_4:
0x19: {  	[tilespmem:s19], [sflag:$0x1] =	stream.linear.gather [hbm4b:s22+s2], $0x80, $0x38;
	[tilespmem:$0x18080] =	vst v63  }
0x1a: {  	s22 =	smov.u32 s20;
	s19 =	smov.u32 s21;
	p0 =	sne.s32 s20, $0x7F0  }
.Ltmp1:
0x1b: {  	s20 =	sadd.s32 $0x10, s20;
	(pc) =	sbr.rel @p0 .LBB2_4-.Ltmp1, $2  }
0x1c: {  	_ =	sdelay $0x2  }
0x1d: {  	s21 =	sadd.s32 $0x100, s21;
	s22 =	sadd.s32 s22, s4  }
0x1e: {  	[tilespmem:s19], [sflag:$0x1] =	stream.linear.gather [hbm4b:s22+s2], $0x80, $0x38;
	[tilespmem:$0x18080] =	vst v63  }
0x1f: {  	s19 =	simm.s32 $0x10000  }
0x20: {  	s20 =	simm.s32 $0x10;
	s22 =	sadd.s32 $0x0, s5;
	s21 =	simm.s32 $0x10100  }
.LBB2_6:
0x21: {  	[tilespmem:s19], [sflag:$0x1] =	stream.linear.gather [hbm4b:s22+s2], $0x80, $0x38;
	[tilespmem:$0x18080] =	vst v63  }
0x22: {  	s22 =	smov.u32 s20;
	s19 =	smov.u32 s21;
	p0 =	sne.s32 s20, $0x7F0  }
.Ltmp2:
0x23: {  	s20 =	sadd.s32 $0x10, s20;
	(pc) =	sbr.rel @p0 .LBB2_6-.Ltmp2, $2  }
0x24: {  	_ =	sdelay $0x2  }
0x25: {  	s21 =	sadd.s32 $0x100, s21;
	s22 =	sadd.s32 s22, s5  }
0x26: {  	[tilespmem:s19], [sflag:$0x1] =	stream.linear.gather [hbm4b:s22+s2], $0x80, $0x38;
	[tilespmem:$0x18080] =	vst v63  }
0x27: {  	s19 =	simm.s32 $0x80  }
0x28: {  	s20 =	simm.s32 $0x10;
	s22 =	sadd.s32 $0x0, s6;
	s21 =	simm.s32 $0x180  }
.LBB2_8:
0x29: {  	[tilespmem:s19], [sflag:$0x2] =	stream.linear.gather [hbm4b:s22+s2], $0x80, $0x38;
	[tilespmem:$0x18080] =	vst v63  }
0x2a: {  	s22 =	smov.u32 s20;
	s19 =	smov.u32 s21;
	p0 =	sne.s32 s20, $0x7F0  }
.Ltmp3:
0x2b: {  	s20 =	sadd.s32 $0x10, s20;
	(pc) =	sbr.rel @p0 .LBB2_8-.Ltmp3, $2  }
0x2c: {  	_ =	sdelay $0x2  }
0x2d: {  	s21 =	sadd.s32 $0x100, s21;
	s22 =	sadd.s32 s22, s6  }
0x2e: {  	[tilespmem:s19], [sflag:$0x2] =	stream.linear.gather [hbm4b:s22+s2], $0x80, $0x38;
	[tilespmem:$0x18080] =	vst v63  }
0x2f: {  	s19 =	simm.s32 $0x8080  }
0x30: {  	s20 =	simm.s32 $0x10;
	s22 =	sadd.s32 $0x0, s7;
	s21 =	simm.s32 $0x8180  }
.LBB2_10:
0x31: {  	[tilespmem:s19], [sflag:$0x2] =	stream.linear.gather [hbm4b:s22+s2], $0x80, $0x38;
	[tilespmem:$0x18080] =	vst v63  }
0x32: {  	s22 =	smov.u32 s20;
	s19 =	smov.u32 s21;
	p0 =	sne.s32 s20, $0x7F0  }
.Ltmp4:
0x33: {  	s20 =	sadd.s32 $0x10, s20;
	(pc) =	sbr.rel @p0 .LBB2_10-.Ltmp4, $2  }
0x34: {  	_ =	sdelay $0x2  }
0x35: {  	s21 =	sadd.s32 $0x100, s21;
	s22 =	sadd.s32 s22, s7  }
0x36: {  	[tilespmem:s19], [sflag:$0x2] =	stream.linear.gather [hbm4b:s22+s2], $0x80, $0x38;
	[tilespmem:$0x18080] =	vst v63  }
0x37: {  	s19 =	simm.s32 $0x10080  }
0x38: {  	s20 =	simm.s32 $0x10;
	s22 =	sadd.s32 $0x0, s8;
	s21 =	simm.s32 $0x10180  }
.LBB2_12:
0x39: {  	[tilespmem:s19], [sflag:$0x2] =	stream.linear.gather [hbm4b:s22+s2], $0x80, $0x38;
	[tilespmem:$0x18080] =	vst v63  }
0x3a: {  	s22 =	smov.u32 s20;
	s19 =	smov.u32 s21;
	p0 =	sne.s32 s20, $0x7F0  }
.Ltmp5:
0x3b: {  	s20 =	sadd.s32 $0x10, s20;
	(pc) =	sbr.rel @p0 .LBB2_12-.Ltmp5, $2  }
0x3c: {  	_ =	sdelay $0x2  }
0x3d: {  	s21 =	sadd.s32 $0x100, s21;
	s22 =	sadd.s32 s22, s8  }
0x3e: {  	[tilespmem:s19], [sflag:$0x2] =	stream.linear.gather [hbm4b:s22+s2], $0x80, $0x38;
	[tilespmem:$0x18080] =	vst v63  }
0x3f: {  	_ =	swait.ge [sflag:s14], $0x4000  }
0x40: {  	[sflag:s14] =	ssyncset.done $0x0  }
0x41: {  	[sflag:s14] =	ssyncadd.s32 $0xFFFFC000  }
0x42: {  	_ =	swait.ge [sflag:s14], $0x4000  }
0x43: {  	[sflag:s14] =	ssyncset.done $0x0  }
0x44: {  	[sflag:s14] =	ssyncadd.s32 $0xFFFFC000  }
0x45: {  	_ =	swait.ge [sflag:s14], $0x4000  }
0x46: {  	[sflag:s14] =	ssyncset.done $0x0  }
0x47: {  	s31 =	simm.s32 $0x10040;
	[sflag:s14] =	ssyncadd.s32 $0xFFFFC000  }
0x48: {  	v1 =	vld [tilespmem:s31+$0x20]  }
0x49: {  	v2 =	vld [tilespmem:s31+$0x10]  }
0x4a: {  	v3 =	vld [tilespmem:s31+$0x0]  }
0x4b: {  	v4 =	vld [tilespmem:s31+$0xFFFFFFF0]  }
0x4c: {  	v5 =	vld [tilespmem:s31+$0xFFFFFFE0]  }
0x4d: {  	s19 =	simm.s32 $0x40;
	v6 =	vld [tilespmem:s31+$0xFFFFFFD0]  }
0x4e: {  	v7 =	vld [tilespmem:s19+$0xFFFFFFE0]  }
0x4f: {  	v8 =	vld [tilespmem:s31+$0xFFFFFFC0]  }
0x50: {  	s20 =	simm.s32 $0x8040;
	v9 =	vld [tilespmem:s19+$0xFFFFFFC0]  }
0x51: {  	v10 =	vld [tilespmem:s20+$0xFFFFFFC0]  }
0x52: {  	v11 =	vld [tilespmem:s19+$0xFFFFFFD0]  }
0x53: {  	v12 =	vld [tilespmem:s20+$0xFFFFFFD0]  }
0x54: {  	v13 =	vld [tilespmem:s20+$0xFFFFFFE0]  }
0x55: {  	v14 =	vimm.f32 $0.0e+00;
	v15 =	vld [tilespmem:s19+$0xFFFFFFF0];
	vm0 =	vgt.s32 v1, $0x0  }
0x56: {  	v1 =	vsub.f32 v9, v10;
	v9 =	vld [tilespmem:s20+$0xFFFFFFF0];
	vm2 =	vgt.s32 v3, $0x0;
	vm1 =	vgt.s32 v2, $0x0  }
0x57: {  	vm3 =	vgt.s32 v6, $0x0;
	vm4 =	vgt.s32 v5, $0x0;
	vm5 =	vgt.s32 v4, $0x0;
	v2 =	vld [tilespmem:s19+$0x0]  }
0x58: {  	vm6 =	vgt.s32 v8, $0x0;
	v3 =	vsub.f32 v11, v12;
	v5 =	vld [tilespmem:s20+$0x0];
	v1 =	vand.u32 $0x7FFFFFFF, v1  }
0x59: {  	v6 =	vsub.f32 v7, v13;
	v7 =	vld [tilespmem:s19+$0x10];
	v4 =	vsel vm6, $0x3F800000, v0;
	v1 =	vnsel vm6, $0x0, v1  }
0x5a: {  	v4 =	vadd.f32 v4, v14;
	v8 =	vadd.f32 v1, v14;
	v1 =	vand.u32 $0x7FFFFFFF, v3;
	v3 =	vld [tilespmem:s20+$0x10]  }
0x5b: {  	v11 =	vsel vm3, $0x3F800000, v0;
	v10 =	vnsel vm3, $0x0, v1;
	v63 =	vsub.f32 v15, v9;
	v1 =	vld [tilespmem:s19+$0x20]  }
0x5c: {  	v6 =	vand.u32 $0x7FFFFFFF, v6;
	v9 =	vadd.f32 v11, v4;
	v4 =	vld [tilespmem:s20+$0x20];
	v8 =	vadd.f32 v10, v8  }
0x5d: {  	v11 =	vsel vm4, $0x3F800000, v0;
	v10 =	vnsel vm4, $0x0, v6;
	v6 =	vsub.f32 v2, v5;
	v2 =	vld [tilespmem:s19+$0x30]  }
0x5e: {  	v5 =	vld [tilespmem:s20+$0x30];
	v9 =	vadd.f32 v11, v9;
	v8 =	vadd.f32 v10, v8;
	v10 =	vand.u32 $0x7FFFFFFF, v63  }
0x5f: {  	s21 =	simm.s32 $0x0;
	s22 =	simm.s32 $0x10140;
	v11 =	vsel vm5, $0x3F800000, v0;
	v10 =	vnsel vm5, $0x0, v10;
	v7 =	vsub.f32 v7, v3;
	v3 =	vld [tilespmem:s31+$0x30]  }
.LBB2_14:
0x60: {  	v12 =	vld [tilespmem:s22+$0x20];
	v8 =	vadd.f32 v10, v8;
	v9 =	vadd.f32 v11, v9;
	v6 =	vand.u32 $0x7FFFFFFF, v6  }
0x61: {  	v11 =	vsel vm2, $0x3F800000, v0;
	v10 =	vld [tilespmem:s22+$0x10];
	v6 =	vnsel vm2, $0x0, v6;
	v1 =	vsub.f32 v1, v4  }
0x62: {  	v7 =	vand.u32 $0x7FFFFFFF, v7;
	v4 =	vld [tilespmem:s22+$0x0];
	v6 =	vadd.f32 v6, v8;
	v8 =	vadd.f32 v11, v9  }
0x63: {  	v7 =	vnsel vm1, $0x0, v7;
	v11 =	vsel vm1, $0x3F800000, v0;
	v9 =	vld [tilespmem:s22+$0xFFFFFFF0];
	v2 =	vsub.f32 v2, v5  }
0x64: {  	v1 =	vand.u32 $0x7FFFFFFF, v1;
	v5 =	vld [tilespmem:s22+$0xFFFFFFE0];
	v6 =	vadd.f32 v7, v6;
	v7 =	vadd.f32 v11, v8  }
0x65: {  	s19 =	sadd.s32 $0x100, s19;
	v1 =	vnsel vm0, $0x0, v1;
	v11 =	vsel vm0, $0x3F800000, v0;
	vm0 =	vgt.s32 v3, $0x0;
	v8 =	vld [tilespmem:s22+$0xFFFFFFD0]  }
0x66: {  	v2 =	vand.u32 $0x7FFFFFFF, v2;
	v3 =	vld [tilespmem:s19+$0xFFFFFFE0];
	v1 =	vadd.f32 v1, v6;
	v6 =	vadd.f32 v11, v7  }
0x67: {  	v2 =	vnsel vm0, $0x0, v2;
	v11 =	vsel vm0, $0x3F800000, v0;
	v7 =	vld [tilespmem:s22+$0xFFFFFFC0]  }
0x68: {  	s20 =	sadd.s32 $0x100, s20;
	v13 =	vld [tilespmem:s19+$0xFFFFFFC0];
	v1 =	vadd.f32 v2, v1;
	v2 =	vadd.f32 v11, v6  }
0x69: {  	s21 =	sadd.s32 $0x8, s21;
	v6 =	vld [tilespmem:s20+$0xFFFFFFC0]  }
0x6a: {  	p0 =	slt.u32 s21, $0x3F8;
	v11 =	vld [tilespmem:s19+$0xFFFFFFD0]  }
0x6b: {  	v14 =	vld [tilespmem:s20+$0xFFFFFFD0]  }
0x6c: {  	v15 =	vld [tilespmem:s20+$0xFFFFFFE0]  }
0x6d: {  	vm0 =	vgt.s32 v12, $0x0;
	v16 =	vld [tilespmem:s19+$0xFFFFFFF0]  }
0x6e: {  	vm1 =	vgt.s32 v10, $0x0;
	vm2 =	vgt.s32 v4, $0x0;
	v6 =	vsub.f32 v13, v6;
	v12 =	vld [tilespmem:s20+$0xFFFFFFF0]  }
0x6f: {  	vm3 =	vgt.s32 v9, $0x0;
	vm5 =	vgt.s32 v5, $0x0;
	vm4 =	vgt.s32 v8, $0x0;
	v5 =	vld [tilespmem:s19+$0x0]  }
0x70: {  	vm6 =	vgt.s32 v7, $0x0;
	v4 =	vand.u32 $0x7FFFFFFF, v6;
	v6 =	vsub.f32 v11, v14;
	v7 =	vld [tilespmem:s20+$0x0]  }
0x71: {  	v8 =	vsel vm6, $0x3F800000, v0;
	v4 =	vnsel vm6, $0x0, v4;
	v3 =	vsub.f32 v3, v15;
	v13 =	vld [tilespmem:s19+$0x10]  }
0x72: {  	v2 =	vadd.f32 v8, v2;
	v4 =	vadd.f32 v4, v1;
	v1 =	vand.u32 $0x7FFFFFFF, v6;
	v14 =	vld [tilespmem:s20+$0x10]  }
.Ltmp6:
0x73: {  	v8 =	vsel vm4, $0x3F800000, v0;
	v6 =	vnsel vm4, $0x0, v1;
	v10 =	vsub.f32 v16, v12;
	v1 =	vld [tilespmem:s19+$0x20];
	(pc) =	sbr.rel @p0 .LBB2_14-.Ltmp6, $4  }
0x74: {  	v11 =	vadd.f32 v8, v2;
	v2 =	vand.u32 $0x7FFFFFFF, v3;
	v9 =	vadd.f32 v6, v4;
	v4 =	vld [tilespmem:s20+$0x20]  }
0x75: {  	v12 =	vsel vm5, $0x3F800000, v0;
	v3 =	vnsel vm5, $0x0, v2;
	v6 =	vsub.f32 v5, v7;
	v2 =	vld [tilespmem:s19+$0x30]  }
0x76: {  	v8 =	vadd.f32 v3, v9;
	v9 =	vadd.f32 v12, v11;
	v3 =	vand.u32 $0x7FFFFFFF, v10;
	v5 =	vld [tilespmem:s20+$0x30]  }
0x77: {  	v11 =	vsel vm3, $0x3F800000, v0;
	v10 =	vnsel vm3, $0x0, v3;
	v7 =	vsub.f32 v13, v14;
	v3 =	vld [tilespmem:s22+$0x30];
	s22 =	sadd.s32 $0x100, s22  }
0x78: {  	v8 =	vadd.f32 v10, v8;
	v9 =	vadd.f32 v11, v9;
	v6 =	vand.u32 $0x7FFFFFFF, v6  }
0x79: {  	v57 =	vsel vm2, $0x3F800000, v0;
	v6 =	vnsel vm2, $0x0, v6;
	v1 =	vsub.f32 v1, v4  }
0x7a: {  	v7 =	vand.u32 $0x7FFFFFFF, v7;
	v58 =	vadd.f32 v6, v8;
	v59 =	vadd.f32 v57, v9  }
0x7b: {  	v60 =	vsel vm1, $0x3F800000, v0;
	v7 =	vnsel vm1, $0x0, v7;
	v2 =	vsub.f32 v2, v5  }
0x7c: {  	v1 =	vand.u32 $0x7FFFFFFF, v1;
	v4 =	vadd.f32 v7, v58;
	v61 =	vadd.f32 v60, v59  }
0x7d: {  	v62 =	vsel vm0, $0x3F800000, v0;
	v1 =	vnsel vm0, $0x0, v1;
	vm15 =	vgt.s32 v3, $0x0  }
0x7e: {  	v2 =	vand.u32 $0x7FFFFFFF, v2;
	v1 =	vadd.f32 v1, v4;
	v3 =	vadd.f32 v62, v61  }
0x7f: {  	s19 =	simm.s32 $0x0;
	v63 =	vsel vm15, $0x3F800000, v0;
	v2 =	vnsel vm15, $0x0, v2  }
0x80: {  	s20 =	simm.s32 $0x10;
	s22 =	sadd.s32 $0x0, s9;
	s21 =	simm.s32 $0x100;
	v1 =	vadd.f32 v2, v1;
	v2 =	vadd.f32 v63, v3  }
.LBB2_16:
0x81: {  	[tilespmem:s19], [sflag:$0x1] =	stream.linear.gather [hbm4b:s22+s2], $0x80, $0x38;
	[tilespmem:$0x18080] =	vst v63  }
0x82: {  	s22 =	smov.u32 s20;
	s19 =	smov.u32 s21;
	p0 =	sne.s32 s20, $0x7F0  }
.Ltmp7:
0x83: {  	s20 =	sadd.s32 $0x10, s20;
	(pc) =	sbr.rel @p0 .LBB2_16-.Ltmp7, $2  }
0x84: {  	_ =	sdelay $0x2  }
0x85: {  	s21 =	sadd.s32 $0x100, s21;
	s22 =	sadd.s32 s22, s9  }
0x86: {  	[tilespmem:s19], [sflag:$0x1] =	stream.linear.gather [hbm4b:s22+s2], $0x80, $0x38;
	[tilespmem:$0x18080] =	vst v63  }
0x87: {  	s19 =	simm.s32 $0x8000  }
0x88: {  	s20 =	simm.s32 $0x10;
	s22 =	sadd.s32 $0x0, s10;
	s21 =	simm.s32 $0x8100  }
.LBB2_18:
0x89: {  	[tilespmem:s19], [sflag:$0x1] =	stream.linear.gather [hbm4b:s22+s2], $0x80, $0x38;
	[tilespmem:$0x18080] =	vst v63  }
0x8a: {  	s22 =	smov.u32 s20;
	s19 =	smov.u32 s21;
	p0 =	sne.s32 s20, $0x7F0  }
.Ltmp8:
0x8b: {  	s20 =	sadd.s32 $0x10, s20;
	(pc) =	sbr.rel @p0 .LBB2_18-.Ltmp8, $2  }
0x8c: {  	_ =	sdelay $0x2  }
0x8d: {  	s21 =	sadd.s32 $0x100, s21;
	s22 =	sadd.s32 s22, s10  }
0x8e: {  	[tilespmem:s19], [sflag:$0x1] =	stream.linear.gather [hbm4b:s22+s2], $0x80, $0x38;
	[tilespmem:$0x18080] =	vst v63  }
0x8f: {  	s19 =	simm.s32 $0x10000  }
0x90: {  	s20 =	simm.s32 $0x10;
	s22 =	sadd.s32 $0x0, s11;
	s21 =	simm.s32 $0x10100  }
.LBB2_20:
0x91: {  	[tilespmem:s19], [sflag:$0x1] =	stream.linear.gather [hbm4b:s22+s2], $0x80, $0x38;
	[tilespmem:$0x18080] =	vst v63  }
0x92: {  	s22 =	smov.u32 s20;
	s19 =	smov.u32 s21;
	p0 =	sne.s32 s20, $0x7F0  }
.Ltmp9:
0x93: {  	s20 =	sadd.s32 $0x10, s20;
	(pc) =	sbr.rel @p0 .LBB2_20-.Ltmp9, $2  }
0x94: {  	_ =	sdelay $0x2  }
0x95: {  	s21 =	sadd.s32 $0x100, s21;
	s22 =	sadd.s32 s22, s11  }
0x96: {  	[tilespmem:s19], [sflag:$0x1] =	stream.linear.gather [hbm4b:s22+s2], $0x80, $0x38;
	[tilespmem:$0x18080] =	vst v63  }
0x97: {  	_ =	swait.ge [sflag:s15], $0x4000  }
0x98: {  	[sflag:s15] =	ssyncset.done $0x0  }
0x99: {  	[sflag:s15] =	ssyncadd.s32 $0xFFFFC000  }
0x9a: {  	_ =	swait.ge [sflag:s15], $0x4000  }
0x9b: {  	[sflag:s15] =	ssyncset.done $0x0  }
0x9c: {  	[sflag:s15] =	ssyncadd.s32 $0xFFFFC000  }
0x9d: {  	_ =	swait.ge [sflag:s15], $0x4000  }
0x9e: {  	[sflag:s15] =	ssyncset.done $0x0  }
0x9f: {  	s31 =	simm.s32 $0x100F0;
	[sflag:s15] =	ssyncadd.s32 $0xFFFFC000  }
0xa0: {  	v3 =	vld [tilespmem:s31+$0xFFFFFFF0]  }
0xa1: {  	v4 =	vld [tilespmem:s31+$0xFFFFFFE0]  }
0xa2: {  	v5 =	vld [tilespmem:s31+$0xFFFFFFD0]  }
0xa3: {  	v6 =	vld [tilespmem:s31+$0xFFFFFFC0]  }
0xa4: {  	v7 =	vld [tilespmem:s31+$0xFFFFFFB0]  }
0xa5: {  	s19 =	simm.s32 $0xF0;
	v8 =	vld [tilespmem:s31+$0xFFFFFFA0]  }
0xa6: {  	v9 =	vld [tilespmem:s19+$0xFFFFFFB0]  }
0xa7: {  	s20 =	simm.s32 $0x80F0;
	v11 =	vld [tilespmem:s19+$0xFFFFFF90]  }
0xa8: {  	v12 =	vld [tilespmem:s20+$0xFFFFFF90]  }
0xa9: {  	v10 =	vld [tilespmem:s31+$0xFFFFFF90]  }
0xaa: {  	v13 =	vld [tilespmem:s19+$0xFFFFFFA0]  }
0xab: {  	v14 =	vld [tilespmem:s20+$0xFFFFFFA0]  }
0xac: {  	v15 =	vld [tilespmem:s20+$0xFFFFFFB0]  }
0xad: {  	v16 =	vld [tilespmem:s19+$0xFFFFFFC0];
	vm0 =	vgt.s32 v3, $0x0;
	v3 =	vsub.f32 v11, v12  }
0xae: {  	v11 =	vld [tilespmem:s20+$0xFFFFFFC0];
	vm2 =	vgt.s32 v5, $0x0;
	vm1 =	vgt.s32 v4, $0x0;
	vm3 =	vgt.s32 v8, $0x0  }
0xaf: {  	vm4 =	vgt.s32 v7, $0x0;
	vm5 =	vgt.s32 v6, $0x0;
	v5 =	vld [tilespmem:s19+$0xFFFFFFD0];
	vm6 =	vgt.s32 v10, $0x0  }
0xb0: {  	v4 =	vsub.f32 v13, v14;
	v6 =	vld [tilespmem:s20+$0xFFFFFFD0];
	v7 =	vsel vm6, $0x3F800000, v0;
	v3 =	vand.u32 $0x7FFFFFFF, v3  }
0xb1: {  	v63 =	vld [tilespmem:s19+$0xFFFFFFE0];
	v8 =	vsub.f32 v9, v15;
	v2 =	vadd.f32 v7, v2;
	v3 =	vnsel vm6, $0x0, v3  }
0xb2: {  	v9 =	vsel vm3, $0x3F800000, v0;
	v7 =	vld [tilespmem:s20+$0xFFFFFFE0];
	v3 =	vadd.f32 v3, v1;
	v1 =	vand.u32 $0x7FFFFFFF, v4  }
0xb3: {  	v9 =	vadd.f32 v9, v2;
	v4 =	vnsel vm3, $0x0, v1;
	v1 =	vld [tilespmem:s19+$0xFFFFFFF0]  }
0xb4: {  	v2 =	vand.u32 $0x7FFFFFFF, v8;
	v10 =	vsub.f32 v16, v11;
	v3 =	vadd.f32 v4, v3;
	v4 =	vld [tilespmem:s20+$0xFFFFFFF0]  }
0xb5: {  	v8 =	vnsel vm4, $0x0, v2;
	v11 =	vsel vm4, $0x3F800000, v0;
	v6 =	vsub.f32 v5, v6;
	v2 =	vld [tilespmem:s19+$0x0]  }
0xb6: {  	v5 =	vld [tilespmem:s20+$0x0];
	v9 =	vadd.f32 v11, v9;
	v8 =	vadd.f32 v8, v3;
	v3 =	vand.u32 $0x7FFFFFFF, v10  }
0xb7: {  	s21 =	simm.s32 $0x0;
	s22 =	simm.s32 $0x101F0;
	v11 =	vsel vm5, $0x3F800000, v0;
	v7 =	vsub.f32 v63, v7;
	v10 =	vnsel vm5, $0x0, v3;
	v3 =	vld [tilespmem:s31+$0x0]  }
.LBB2_22:
0xb8: {  	v12 =	vld [tilespmem:s22+$0xFFFFFFF0];
	v8 =	vadd.f32 v10, v8;
	v9 =	vadd.f32 v11, v9;
	v6 =	vand.u32 $0x7FFFFFFF, v6  }
0xb9: {  	v11 =	vsel vm2, $0x3F800000, v0;
	v10 =	vld [tilespmem:s22+$0xFFFFFFE0];
	v6 =	vnsel vm2, $0x0, v6;
	v1 =	vsub.f32 v1, v4  }
0xba: {  	v7 =	vand.u32 $0x7FFFFFFF, v7;
	v4 =	vld [tilespmem:s22+$0xFFFFFFD0];
	v6 =	vadd.f32 v6, v8;
	v8 =	vadd.f32 v11, v9  }
0xbb: {  	v7 =	vnsel vm1, $0x0, v7;
	v11 =	vsel vm1, $0x3F800000, v0;
	v9 =	vld [tilespmem:s22+$0xFFFFFFC0];
	v2 =	vsub.f32 v2, v5  }
0xbc: {  	v1 =	vand.u32 $0x7FFFFFFF, v1;
	v5 =	vld [tilespmem:s22+$0xFFFFFFB0];
	v6 =	vadd.f32 v7, v6;
	v7 =	vadd.f32 v11, v8  }
0xbd: {  	s19 =	sadd.s32 $0x100, s19;
	v1 =	vnsel vm0, $0x0, v1;
	v11 =	vsel vm0, $0x3F800000, v0;
	vm0 =	vgt.s32 v3, $0x0;
	v8 =	vld [tilespmem:s22+$0xFFFFFFA0]  }
0xbe: {  	v2 =	vand.u32 $0x7FFFFFFF, v2;
	v3 =	vld [tilespmem:s19+$0xFFFFFFB0];
	v1 =	vadd.f32 v1, v6;
	v6 =	vadd.f32 v11, v7  }
0xbf: {  	v2 =	vnsel vm0, $0x0, v2;
	v11 =	vsel vm0, $0x3F800000, v0;
	v7 =	vld [tilespmem:s22+$0xFFFFFF90]  }
0xc0: {  	s20 =	sadd.s32 $0x100, s20;
	v13 =	vld [tilespmem:s19+$0xFFFFFF90];
	v1 =	vadd.f32 v2, v1;
	v2 =	vadd.f32 v11, v6  }
0xc1: {  	s21 =	sadd.s32 $0x8, s21;
	v6 =	vld [tilespmem:s20+$0xFFFFFF90]  }
0xc2: {  	p0 =	slt.u32 s21, $0x3F8;
	v11 =	vld [tilespmem:s19+$0xFFFFFFA0]  }
0xc3: {  	v14 =	vld [tilespmem:s20+$0xFFFFFFA0]  }
0xc4: {  	v15 =	vld [tilespmem:s20+$0xFFFFFFB0]  }
0xc5: {  	vm0 =	vgt.s32 v12, $0x0;
	v16 =	vld [tilespmem:s19+$0xFFFFFFC0]  }
0xc6: {  	vm1 =	vgt.s32 v10, $0x0;
	vm2 =	vgt.s32 v4, $0x0;
	v6 =	vsub.f32 v13, v6;
	v12 =	vld [tilespmem:s20+$0xFFFFFFC0]  }
0xc7: {  	vm3 =	vgt.s32 v9, $0x0;
	vm5 =	vgt.s32 v5, $0x0;
	vm4 =	vgt.s32 v8, $0x0;
	v5 =	vld [tilespmem:s19+$0xFFFFFFD0]  }
0xc8: {  	vm6 =	vgt.s32 v7, $0x0;
	v4 =	vand.u32 $0x7FFFFFFF, v6;
	v6 =	vsub.f32 v11, v14;
	v7 =	vld [tilespmem:s20+$0xFFFFFFD0]  }
0xc9: {  	v8 =	vsel vm6, $0x3F800000, v0;
	v4 =	vnsel vm6, $0x0, v4;
	v3 =	vsub.f32 v3, v15;
	v13 =	vld [tilespmem:s19+$0xFFFFFFE0]  }
0xca: {  	v2 =	vadd.f32 v8, v2;
	v4 =	vadd.f32 v4, v1;
	v1 =	vand.u32 $0x7FFFFFFF, v6;
	v14 =	vld [tilespmem:s20+$0xFFFFFFE0]  }
.Ltmp10:
0xcb: {  	v8 =	vsel vm4, $0x3F800000, v0;
	v6 =	vnsel vm4, $0x0, v1;
	v10 =	vsub.f32 v16, v12;
	v1 =	vld [tilespmem:s19+$0xFFFFFFF0];
	(pc) =	sbr.rel @p0 .LBB2_22-.Ltmp10, $4  }
0xcc: {  	v11 =	vadd.f32 v8, v2;
	v2 =	vand.u32 $0x7FFFFFFF, v3;
	v9 =	vadd.f32 v6, v4;
	v4 =	vld [tilespmem:s20+$0xFFFFFFF0]  }
0xcd: {  	v12 =	vsel vm5, $0x3F800000, v0;
	v3 =	vnsel vm5, $0x0, v2;
	v6 =	vsub.f32 v5, v7;
	v2 =	vld [tilespmem:s19+$0x0]  }
0xce: {  	v8 =	vadd.f32 v3, v9;
	v9 =	vadd.f32 v12, v11;
	v3 =	vand.u32 $0x7FFFFFFF, v10;
	v5 =	vld [tilespmem:s20+$0x0]  }
0xcf: {  	v11 =	vsel vm3, $0x3F800000, v0;
	v10 =	vnsel vm3, $0x0, v3;
	v7 =	vsub.f32 v13, v14;
	v3 =	vld [tilespmem:s22+$0x0];
	s22 =	sadd.s32 $0x100, s22  }
0xd0: {  	_ =	swait.ge [sflag:s14], $0x4000  }
0xd1: {  	[sflag:s14] =	ssyncset.done $0x0  }
0xd2: {  	[sflag:s14] =	ssyncadd.s32 $0xFFFFC000  }
0xd3: {  	_ =	swait.ge [sflag:s14], $0x4000  }
0xd4: {  	[sflag:s14] =	ssyncset.done $0x0  }
0xd5: {  	[sflag:s14] =	ssyncadd.s32 $0xFFFFC000  }
0xd6: {  	_ =	swait.ge [sflag:s14], $0x4000  }
0xd7: {  	[sflag:s14] =	ssyncset.done $0x0  }
0xd8: {  	s22 =	simm.s32 $0x10040;
	[sflag:s14] =	ssyncadd.s32 $0xFFFFC000  }
0xd9: {  	v12 =	vld [tilespmem:s22+$0x20]  }
0xda: {  	v13 =	vld [tilespmem:s22+$0x10]  }
0xdb: {  	v14 =	vld [tilespmem:s22+$0x0]  }
0xdc: {  	v15 =	vld [tilespmem:s22+$0xFFFFFFF0]  }
0xdd: {  	v16 =	vld [tilespmem:s22+$0xFFFFFFE0]  }
0xde: {  	v8 =	vadd.f32 v10, v8;
	v9 =	vadd.f32 v11, v9;
	v6 =	vand.u32 $0x7FFFFFFF, v6;
	s19 =	simm.s32 $0x40;
	v10 =	vld [tilespmem:s22+$0xFFFFFFD0]  }
0xdf: {  	v11 =	vsel vm2, $0x3F800000, v0;
	v6 =	vnsel vm2, $0x0, v6;
	v1 =	vsub.f32 v1, v4;
	v4 =	vld [tilespmem:s19+$0xFFFFFFE0]  }
0xe0: {  	v7 =	vand.u32 $0x7FFFFFFF, v7;
	v6 =	vadd.f32 v6, v8;
	v8 =	vadd.f32 v11, v9;
	v9 =	vld [tilespmem:s22+$0xFFFFFFC0]  }
0xe1: {  	s20 =	simm.s32 $0x8040;
	v7 =	vnsel vm1, $0x0, v7;
	v11 =	vsel vm1, $0x3F800000, v0;
	v2 =	vsub.f32 v2, v5;
	v5 =	vld [tilespmem:s19+$0xFFFFFFC0]  }
0xe2: {  	v1 =	vand.u32 $0x7FFFFFFF, v1;
	v6 =	vadd.f32 v7, v6;
	v7 =	vadd.f32 v11, v8;
	v8 =	vld [tilespmem:s20+$0xFFFFFFC0]  }
0xe3: {  	v1 =	vnsel vm0, $0x0, v1;
	v11 =	vsel vm0, $0x3F800000, v0;
	vm0 =	vgt.s32 v3, $0x0;
	v3 =	vld [tilespmem:s19+$0xFFFFFFD0]  }
0xe4: {  	v2 =	vand.u32 $0x7FFFFFFF, v2;
	v1 =	vadd.f32 v1, v6;
	v6 =	vadd.f32 v11, v7;
	v7 =	vld [tilespmem:s20+$0xFFFFFFD0]  }
0xe5: {  	v2 =	vnsel vm0, $0x0, v2;
	v11 =	vsel vm0, $0x3F800000, v0;
	v17 =	vld [tilespmem:s20+$0xFFFFFFE0]  }
0xe6: {  	v1 =	vadd.f32 v2, v1;
	v2 =	vadd.f32 v11, v6;
	v6 =	vld [tilespmem:s19+$0xFFFFFFF0];
	vm0 =	vgt.s32 v12, $0x0  }
0xe7: {  	v5 =	vsub.f32 v5, v8;
	v8 =	vld [tilespmem:s20+$0xFFFFFFF0];
	vm2 =	vgt.s32 v14, $0x0;
	vm1 =	vgt.s32 v13, $0x0  }
0xe8: {  	vm3 =	vgt.s32 v10, $0x0;
	vm4 =	vgt.s32 v16, $0x0;
	vm5 =	vgt.s32 v15, $0x0;
	v10 =	vld [tilespmem:s19+$0x0]  }
0xe9: {  	vm6 =	vgt.s32 v9, $0x0;
	v3 =	vsub.f32 v3, v7;
	v7 =	vld [tilespmem:s20+$0x0];
	v5 =	vand.u32 $0x7FFFFFFF, v5  }
0xea: {  	v62 =	vld [tilespmem:s19+$0x10];
	v4 =	vsub.f32 v4, v17;
	v9 =	vsel vm6, $0x3F800000, v0;
	v5 =	vnsel vm6, $0x0, v5  }
0xeb: {  	v2 =	vadd.f32 v9, v2;
	v5 =	vadd.f32 v5, v1;
	v1 =	vand.u32 $0x7FFFFFFF, v3;
	v3 =	vld [tilespmem:s20+$0x10]  }
0xec: {  	v11 =	vsel vm3, $0x3F800000, v0;
	v9 =	vnsel vm3, $0x0, v1;
	v63 =	vsub.f32 v6, v8;
	v1 =	vld [tilespmem:s19+$0x20]  }
0xed: {  	v8 =	vadd.f32 v11, v2;
	v2 =	vand.u32 $0x7FFFFFFF, v4;
	v4 =	vld [tilespmem:s20+$0x20];
	v5 =	vadd.f32 v9, v5  }
0xee: {  	v11 =	vsel vm4, $0x3F800000, v0;
	v6 =	vsub.f32 v10, v7;
	v9 =	vnsel vm4, $0x0, v2;
	v2 =	vld [tilespmem:s19+$0x30]  }
0xef: {  	v8 =	vadd.f32 v11, v8;
	v7 =	vand.u32 $0x7FFFFFFF, v63;
	v9 =	vadd.f32 v9, v5;
	v5 =	vld [tilespmem:s20+$0x30]  }
0xf0: {  	s21 =	simm.s32 $0x0;
	v10 =	vsel vm5, $0x3F800000, v0;
	v11 =	vnsel vm5, $0x0, v7;
	v7 =	vsub.f32 v62, v3;
	v3 =	vld [tilespmem:s22+$0x30];
	s22 =	simm.s32 $0x10140  }
.LBB2_24:
0xf1: {  	v12 =	vld [tilespmem:s22+$0x20];
	v9 =	vadd.f32 v11, v9;
	v8 =	vadd.f32 v10, v8;
	v6 =	vand.u32 $0x7FFFFFFF, v6  }
0xf2: {  	v11 =	vsel vm2, $0x3F800000, v0;
	v10 =	vld [tilespmem:s22+$0x10];
	v6 =	vnsel vm2, $0x0, v6;
	v1 =	vsub.f32 v1, v4  }
0xf3: {  	v7 =	vand.u32 $0x7FFFFFFF, v7;
	v4 =	vld [tilespmem:s22+$0x0];
	v6 =	vadd.f32 v6, v9;
	v8 =	vadd.f32 v11, v8  }
0xf4: {  	v7 =	vnsel vm1, $0x0, v7;
	v11 =	vsel vm1, $0x3F800000, v0;
	v9 =	vld [tilespmem:s22+$0xFFFFFFF0];
	v2 =	vsub.f32 v2, v5  }
0xf5: {  	v1 =	vand.u32 $0x7FFFFFFF, v1;
	v5 =	vld [tilespmem:s22+$0xFFFFFFE0];
	v6 =	vadd.f32 v7, v6;
	v7 =	vadd.f32 v11, v8  }
0xf6: {  	s19 =	sadd.s32 $0x100, s19;
	v1 =	vnsel vm0, $0x0, v1;
	v11 =	vsel vm0, $0x3F800000, v0;
	vm0 =	vgt.s32 v3, $0x0;
	v8 =	vld [tilespmem:s22+$0xFFFFFFD0]  }
0xf7: {  	v2 =	vand.u32 $0x7FFFFFFF, v2;
	v3 =	vld [tilespmem:s19+$0xFFFFFFE0];
	v1 =	vadd.f32 v1, v6;
	v6 =	vadd.f32 v11, v7  }
0xf8: {  	v2 =	vnsel vm0, $0x0, v2;
	v11 =	vsel vm0, $0x3F800000, v0;
	v7 =	vld [tilespmem:s22+$0xFFFFFFC0]  }
0xf9: {  	s20 =	sadd.s32 $0x100, s20;
	v13 =	vld [tilespmem:s19+$0xFFFFFFC0];
	v1 =	vadd.f32 v2, v1;
	v2 =	vadd.f32 v11, v6  }
0xfa: {  	s21 =	sadd.s32 $0x8, s21;
	v6 =	vld [tilespmem:s20+$0xFFFFFFC0]  }
0xfb: {  	p0 =	slt.u32 s21, $0x3F8;
	v11 =	vld [tilespmem:s19+$0xFFFFFFD0]  }
0xfc: {  	v14 =	vld [tilespmem:s20+$0xFFFFFFD0]  }
0xfd: {  	v15 =	vld [tilespmem:s20+$0xFFFFFFE0]  }
0xfe: {  	vm0 =	vgt.s32 v12, $0x0;
	v16 =	vld [tilespmem:s19+$0xFFFFFFF0]  }
0xff: {  	vm1 =	vgt.s32 v10, $0x0;
	vm2 =	vgt.s32 v4, $0x0;
	v6 =	vsub.f32 v13, v6;
	v12 =	vld [tilespmem:s20+$0xFFFFFFF0]  }
0x100: {  	vm3 =	vgt.s32 v9, $0x0;
	vm5 =	vgt.s32 v5, $0x0;
	vm4 =	vgt.s32 v8, $0x0;
	v5 =	vld [tilespmem:s19+$0x0]  }
0x101: {  	vm6 =	vgt.s32 v7, $0x0;
	v4 =	vand.u32 $0x7FFFFFFF, v6;
	v6 =	vsub.f32 v11, v14;
	v7 =	vld [tilespmem:s20+$0x0]  }
0x102: {  	v8 =	vsel vm6, $0x3F800000, v0;
	v4 =	vnsel vm6, $0x0, v4;
	v3 =	vsub.f32 v3, v15;
	v13 =	vld [tilespmem:s19+$0x10]  }
0x103: {  	v2 =	vadd.f32 v8, v2;
	v4 =	vadd.f32 v4, v1;
	v1 =	vand.u32 $0x7FFFFFFF, v6;
	v14 =	vld [tilespmem:s20+$0x10]  }
.Ltmp11:
0x104: {  	v8 =	vsel vm4, $0x3F800000, v0;
	v6 =	vnsel vm4, $0x0, v1;
	v10 =	vsub.f32 v16, v12;
	v1 =	vld [tilespmem:s19+$0x20];
	(pc) =	sbr.rel @p0 .LBB2_24-.Ltmp11, $4  }
0x105: {  	v8 =	vadd.f32 v8, v2;
	v2 =	vand.u32 $0x7FFFFFFF, v3;
	v9 =	vadd.f32 v6, v4;
	v4 =	vld [tilespmem:s20+$0x20]  }
0x106: {  	v11 =	vsel vm5, $0x3F800000, v0;
	v3 =	vnsel vm5, $0x0, v2;
	v6 =	vsub.f32 v5, v7;
	v2 =	vld [tilespmem:s19+$0x30]  }
0x107: {  	v8 =	vadd.f32 v11, v8;
	v9 =	vadd.f32 v3, v9;
	v3 =	vand.u32 $0x7FFFFFFF, v10;
	v5 =	vld [tilespmem:s20+$0x30]  }
0x108: {  	v10 =	vsel vm3, $0x3F800000, v0;
	v11 =	vnsel vm3, $0x0, v3;
	v7 =	vsub.f32 v13, v14;
	v3 =	vld [tilespmem:s22+$0x30];
	s22 =	sadd.s32 $0x100, s22  }
0x109: {  	v9 =	vadd.f32 v11, v9;
	v6 =	vand.u32 $0x7FFFFFFF, v6  }
0x10a: {  	v8 =	vadd.f32 v10, v8;
	v56 =	vsel vm2, $0x3F800000, v0;
	v6 =	vnsel vm2, $0x0, v6  }
0x10b: {  	v1 =	vsub.f32 v1, v4;
	v58 =	vand.u32 $0x7FFFFFFF, v7;
	v57 =	vadd.f32 v6, v9  }
0x10c: {  	v60 =	vsel vm1, $0x3F800000, v0;
	v59 =	vadd.f32 v56, v8;
	v6 =	vnsel vm1, $0x0, v58  }
0x10d: {  	v2 =	vsub.f32 v2, v5;
	v1 =	vand.u32 $0x7FFFFFFF, v1;
	v4 =	vadd.f32 v6, v57  }
0x10e: {  	v62 =	vsel vm0, $0x3F800000, v0;
	v61 =	vadd.f32 v60, v59;
	v1 =	vnsel vm0, $0x0, v1  }
0x10f: {  	vm15 =	vgt.s32 v3, $0x0;
	v2 =	vand.u32 $0x7FFFFFFF, v2;
	v1 =	vadd.f32 v1, v4  }
0x110: {  	v3 =	vadd.f32 v62, v61;
	v2 =	vnsel vm15, $0x0, v2  }
0x111: {  	v63 =	vsel vm15, $0x3F800000, v0;
	v1 =	vadd.f32 v2, v1  }
0x112: {  	s18 =	sadd.s32 $0x1, s18;
	v2 =	vadd.f32 v63, v3  }
0x113: {  	p0 =	sne.s32 s18, s13;
	[tilespmem:$0x18000] =	vst v1  }
.Ltmp12:
0x114: {  	[tilespmem:$0x18010] =	vst v2;
	(pc) =	sbr.rel @p0 .LBB2_1-.Ltmp12, $4  }
0x115: {  	[hbm4b:s12+s2] =	stream.linear.scatter [tilespmem:s16], [sflag:$0x3], $0x80, $0x38;
	[tilespmem:$0x18080] =	vst v63  }
0x116: {  	_ =	swait.ge [sflag:s17], $0x80  }
0x117: {  	[sflag:s17] =	ssyncset.done $0x0  }
0x118: {  	[sflag:s17] =	ssyncadd.s32 $0xFFFFFF80  }
0x119: {  	_ =	sfence.sel $0x180000  }
0x11a: {  	[bflag:$0x0] =	sbarrier.arrive $0xFFFF  }
0x11b: {  	p0 =	sne.s32 s0, $0x0;
	_ =	strace $0x90000047  }
0x11c: {  	s0 =	sadd.s32 @!p0 $0x100000, s1;
	[bflag:$0x2] =	sbarrier.arrive $0xFFFF  }
0x11d: {  	[sflag:s0] =	ssyncadd.tile.s32 @!p0 $0x1;
	_ =	shalt  }
.Lfunc_end2:
_tile_overlayer_lowered:
.L_overlay_start_2:
0x11e: {  	(tag) =	ssettag $0x2  }
0x11f: {  	s0 =	rddreg [dreg:$0x0];
	s2 =	stileid.u32  }
0x120: {  	s1 =	rddreg [dreg:$0x1];
	p0 =	sne.s32 s2, $0x0  }
0x121: {  	s3 =	rddreg [dreg:$0x2];
	[bflag:$0x3] =	sbarrier.arrive $0xFFFF;
	s2 =	simm.s32 @!p0 $0x1C03  }
0x122: {  	[timem:s3], [sflag:s2] =	dma.local @!p0 [hbm:s0], s1  }
0x123: {  	s0 =	simm.s32 @!p0 $0x3  }
0x124: {  	_ =	swait.ge @!p0 [sflag:s0], s1  }
0x125: {  	s1 =	ssub.s32 @!p0 $0x0, s1;
	[sflag:s0] =	ssyncset.done @!p0 $0x0  }
0x126: {  	[sflag:s0] =	ssyncadd.s32 @!p0 s1  }
0x127: {  	[bflag:$0x3] =	sbarrier.arrive $0xFFFF  }
0x128: {  	_ =	shalt  }

</sc_bundles>
